<compile_context>
chip_gen: v7x
topology: tpu7x:2x2x1
jax: 0.10.2.dev20260603
libtpu: 0.0.44.dev20260713+nightly
codegen_flags: <defaults>
</compile_context>

<pallas_src>
import functools

import jax
import jax.numpy as jnp
from jax import lax
from jax.experimental import pallas as pl
from jax.experimental.pallas import tpu as pltpu
from jax.experimental.pallas import tpu_sc as plsc

B = 16384
D = 128
L = 16
NC = 2
NS = 16
NW = NC * NS
ROWS_PER_W = B // NW
CHUNK = 64
NCHUNK = ROWS_PER_W // CHUNK
NBUF = 2


def _rsqrt_newton(x):
    i = lax.bitcast_convert_type(x, jnp.int32)
    i = jnp.int32(0x5F3759DF) - lax.shift_right_logical(i, 1)
    y = lax.bitcast_convert_type(i, jnp.float32)
    half_x = jnp.float32(0.5) * x
    for _ in range(3):
        y = y * (jnp.float32(1.5) - half_x * y * y)
    return y


def _make_sc_kernel():
    mesh = plsc.VectorSubcoreMesh(core_axis_name="c", subcore_axis_name="s")

    @functools.partial(
        pl.kernel,
        mesh=mesh,
        compiler_params=pltpu.CompilerParams(needs_layout_passes=False),
        out_type=jax.ShapeDtypeStruct((B,), jnp.float32),
        scratch_types=[
            pltpu.VMEM((ROWS_PER_W,), jnp.int32),
            pltpu.VMEM((NCHUNK, CHUNK, D), jnp.float32),
            pltpu.VMEM((NBUF, CHUNK, D), jnp.float32),
            pltpu.VMEM((ROWS_PER_W,), jnp.float32),
            pltpu.SemaphoreType.DMA((NCHUNK,)),
            pltpu.SemaphoreType.DMA((NBUF,)),
            pltpu.SemaphoreType.DMA,
            pltpu.SemaphoreType.DMA,
        ],
    )
    def sc_kernel(src_hbm, ids_hbm, dst_hbm, table_hbm, out_hbm,
                  idx_v, acc_v, dst_v, out_v,
                  gsem, dsem, idx_sem, out_sem):
        wid = lax.axis_index("s") * NC + lax.axis_index("c")
        base = wid * ROWS_PER_W

        def start_dst(c, b):
            pltpu.async_copy(dst_hbm.at[pl.ds(base + c * CHUNK, CHUNK)],
                             dst_v.at[b], dsem.at[b])

        idx_desc = pltpu.async_copy(
            ids_hbm.at[pl.ds(base, ROWS_PER_W)], idx_v, idx_sem
        )
        for c in range(NCHUNK):
            pltpu.async_copy(src_hbm.at[pl.ds(base + c * CHUNK, CHUNK)],
                             acc_v.at[c], gsem.at[c])
        start_dst(0, 0)
        start_dst(1, 1)
        idx_desc.wait()

        def issue_body(c, _):
            pltpu.make_async_copy(src_hbm.at[pl.ds(base + c * CHUNK, CHUNK)],
                                  acc_v.at[c], gsem.at[c]).wait()
            pltpu.async_copy(
                table_hbm.at[idx_v.at[pl.ds(c * CHUNK, CHUNK)]],
                acc_v.at[c], gsem.at[c], add=True,
            )
            return 0

        lax.fori_loop(0, NCHUNK, issue_body, 0)

        lane = jnp.arange(L, dtype=jnp.int32)

        def chunk_body(c, _):
            bsel = c % NBUF
            pltpu.make_async_copy(dst_hbm.at[pl.ds(base + c * CHUNK, CHUNK)],
                                  dst_v.at[bsel], dsem.at[bsel]).wait()
            pltpu.make_async_copy(
                table_hbm.at[idx_v.at[pl.ds(c * CHUNK, CHUNK)]],
                acc_v.at[c], gsem.at[c],
            ).wait()
            av, dv = acc_v.at[c], dst_v.at[bsel]

            def group_body(g, _):
                rows = lane + g * L

                def body(j, acc):
                    cols = (lane + j) & jnp.int32(D - 1)
                    a = plsc.load_gather(av, [rows, cols])
                    d = plsc.load_gather(dv, [rows, cols])
                    t = a - d
                    return acc + t * t

                acc = lax.fori_loop(0, D, body, jnp.zeros((L,), jnp.float32),
                                    unroll=4)
                x = jnp.maximum(acc, jnp.float32(1e-30))
                out_v[pl.ds(c * CHUNK + g * L, L)] = -(x * _rsqrt_newton(x))
                return 0

            lax.fori_loop(0, CHUNK // L, group_body, 0)

            @pl.when(c + NBUF < NCHUNK)
            def _():
                start_dst(c + NBUF, bsel)

            return 0

        lax.fori_loop(0, NCHUNK, chunk_body, 0)
        pltpu.async_copy(
            out_v, out_hbm.at[pl.ds(base, ROWS_PER_W)], out_sem
        ).wait()

    return sc_kernel


_SC_KERNEL = _make_sc_kernel()


def kernel(src_emb, rel_ids, dst_emb, rel_table):
    return _SC_KERNEL(src_emb, rel_ids.astype(jnp.int32), dst_emb, rel_table)

# --- scband reference (transcript-rebuilt; emitter-appended) ---
"""Pipeline reference for scband-trans-escorer-22419729285499 (READ-ONLY COPY).

The authoritative reference and input builder live on the scoring server;
editing this copy changes nothing except your own understanding.
"""

import jax, jax.numpy as jnp
import numpy as np
import math

NUM_REL = 100000
REL_DIM = 128
BATCH = 16384


def setup_inputs(seed: int = 0) -> dict:
    key = jax.random.key(seed)
    k1, k2, k3, k4 = jax.random.split(key, 4)
    src_emb = jax.random.normal(k1, (BATCH, REL_DIM), dtype=jnp.float32)
    dst_emb = jax.random.normal(k2, (BATCH, REL_DIM), dtype=jnp.float32)
    rel_ids = jax.random.randint(k3, (BATCH,), 0, NUM_REL, dtype=jnp.int64 if jax.config.jax_enable_x64 else jnp.int32)
    # Xavier uniform init for the relation embedding table
    bound = math.sqrt(6.0 / (NUM_REL + REL_DIM))
    rel_table = jax.random.uniform(k4, (NUM_REL, REL_DIM), dtype=jnp.float32, minval=-bound, maxval=bound)
    return {"src_emb": src_emb, "rel_ids": rel_ids, "dst_emb": dst_emb, "rel_table": rel_table}


def reference(src_emb, rel_ids, dst_emb, rel_table):
    # embedding lookup (gather)
    rel_emb = jnp.take(rel_table, rel_ids, axis=0)  # [B, D]
    # TransE score: -||src + rel - dst||_2
    diff = src_emb + rel_emb - dst_emb
    distance = jnp.sqrt(jnp.sum(diff * diff, axis=-1))
    return -distance

if __name__ == "__main__":
    import jax
    _d = setup_inputs()
    print(jax.jit(kernel)(*tuple(_d.values())))

</pallas_src>

<mosaic_0001>
#map = affine_map<(d0, d1) -> (0, 0)>
#map1 = affine_map<(d0, d1) -> (0)>
module attributes {stable_mosaic.version = 14 : i64} {
  func.func @sc_kernel(%arg0: i32, %arg1: i32, %arg2: memref<16384x128xf32, #tpu.memory_space<hbm>>, %arg3: memref<16384xi32, #tpu.memory_space<hbm>>, %arg4: memref<16384x128xf32, #tpu.memory_space<hbm>>, %arg5: memref<100000x128xf32, #tpu.memory_space<hbm>>, %arg6: memref<16384xf32, #tpu.memory_space<hbm>>, %arg7: memref<512xi32, #tpu.memory_space<vmem>>, %arg8: memref<8x64x128xf32, #tpu.memory_space<vmem>>, %arg9: memref<2x64x128xf32, #tpu.memory_space<vmem>>, %arg10: memref<512xf32, #tpu.memory_space<vmem>>, %arg11: memref<8x!tpu.dma_semaphore, #tpu.memory_space<semaphore_mem>>, %arg12: memref<2x!tpu.dma_semaphore, #tpu.memory_space<semaphore_mem>>, %arg13: memref<!tpu.dma_semaphore, #tpu.memory_space<semaphore_mem>>, %arg14: memref<!tpu.dma_semaphore, #tpu.memory_space<semaphore_mem>>) attributes {dimension_semantics = [#tpu.dimension_semantics<core_parallel>, #tpu.dimension_semantics<subcore_parallel>], iteration_bounds = array<i64: 2, 16>, scalar_prefetch = 0 : i64, scratch_operands = 8 : i64, tpu.core_type = #tpu.core_type<sc_vector_subcore>, window_params = [{transform_indices = #map}, {transform_indices = #map1}, {transform_indices = #map}, {transform_indices = #map}, {transform_indices = #map1}]} {
    %mul3A = arith.constant 2 : i32
    %mul3A_0 = arith.muli %arg1, %mul3A : i32
    %add3A = arith.addi %mul3A_0, %arg0 : i32
    %mul3A_1 = arith.constant 512 : i32
    %mul3A_2 = arith.muli %add3A, %mul3A_1 : i32
    %dma_start3A = tpu.memref_slice %arg3[%mul3A_2] : memref<16384xi32, #tpu.memory_space<hbm>> -> memref<512xi32, #tpu.memory_space<hbm>>
    %dma_start3A_3 = tpu.memref_slice %arg3[%mul3A_2] : memref<16384xi32, #tpu.memory_space<hbm>> -> memref<512xi32, #tpu.memory_space<hbm>>
    tpu.enqueue_dma source(%dma_start3A_3 : memref<512xi32, #tpu.memory_space<hbm>>) target(%arg7 : memref<512xi32, #tpu.memory_space<vmem>>) target_semaphore(%arg13 : memref<!tpu.dma_semaphore, #tpu.memory_space<semaphore_mem>>)
    %add3A_4 = arith.constant 0 : i32
    %add3A_5 = arith.addi %mul3A_2, %add3A_4 : i32
    %dma_start3A_6 = arith.constant 0 : i32
    %dma_start3A_7 = arith.constant 0 : i32
    %dma_start3A_8 = arith.constant 0 : i32
    %dma_start3A_9 = arith.constant 0 : i32
    %dma_start3A_10 = tpu.memref_slice %arg8[%dma_start3A_6, %dma_start3A_8, %dma_start3A_9] : memref<8x64x128xf32, #tpu.memory_space<vmem>> -> memref<1x64x128xf32, #tpu.memory_space<vmem>>
    %dma_start3A_11 = tpu.memref_squeeze %dma_start3A_10 : memref<1x64x128xf32, #tpu.memory_space<vmem>> -> memref<64x128xf32, #tpu.memory_space<vmem>>
    %dma_start3A_12 = arith.constant 0 : i32
    %dma_start3A_13 = tpu.memref_slice %arg2[%add3A_5, %dma_start3A_12] : memref<16384x128xf32, #tpu.memory_space<hbm>> -> memref<64x128xf32, #tpu.memory_space<hbm>>
    %dma_start3A_14 = tpu.memref_slice %arg11[%dma_start3A_7] : memref<8x!tpu.dma_semaphore, #tpu.memory_space<semaphore_mem>> -> memref<1x!tpu.dma_semaphore, #tpu.memory_space<semaphore_mem>>
    %dma_start3A_15 = tpu.memref_squeeze %dma_start3A_14 : memref<1x!tpu.dma_semaphore, #tpu.memory_space<semaphore_mem>> -> memref<!tpu.dma_semaphore, #tpu.memory_space<semaphore_mem>>
    %dma_start3A_16 = arith.constant 0 : i32
    %dma_start3A_17 = arith.constant 0 : i32
    %dma_start3A_18 = tpu.memref_slice %arg8[%dma_start3A_6, %dma_start3A_16, %dma_start3A_17] : memref<8x64x128xf32, #tpu.memory_space<vmem>> -> memref<1x64x128xf32, #tpu.memory_space<vmem>>
    %dma_start3A_19 = tpu.memref_squeeze %dma_start3A_18 : memref<1x64x128xf32, #tpu.memory_space<vmem>> -> memref<64x128xf32, #tpu.memory_space<vmem>>
    %dma_start3A_20 = arith.constant 0 : i32
    %dma_start3A_21 = tpu.memref_slice %arg2[%add3A_5, %dma_start3A_20] : memref<16384x128xf32, #tpu.memory_space<hbm>> -> memref<64x128xf32, #tpu.memory_space<hbm>>
    tpu.enqueue_dma source(%dma_start3A_21 : memref<64x128xf32, #tpu.memory_space<hbm>>) target(%dma_start3A_19 : memref<64x128xf32, #tpu.memory_space<vmem>>) target_semaphore(%dma_start3A_15 : memref<!tpu.dma_semaphore, #tpu.memory_space<semaphore_mem>>)
    %add3A_22 = arith.constant 64 : i32
    %add3A_23 = arith.addi %mul3A_2, %add3A_22 : i32
    %dma_start3A_24 = arith.constant 1 : i32
    %dma_start3A_25 = arith.constant 1 : i32
    %dma_start3A_26 = arith.constant 0 : i32
    %dma_start3A_27 = arith.constant 0 : i32
    %dma_start3A_28 = tpu.memref_slice %arg8[%dma_start3A_24, %dma_start3A_26, %dma_start3A_27] : memref<8x64x128xf32, #tpu.memory_space<vmem>> -> memref<1x64x128xf32, #tpu.memory_space<vmem>>
    %dma_start3A_29 = tpu.memref_squeeze %dma_start3A_28 : memref<1x64x128xf32, #tpu.memory_space<vmem>> -> memref<64x128xf32, #tpu.memory_space<vmem>>
    %dma_start3A_30 = arith.constant 0 : i32
    %dma_start3A_31 = tpu.memref_slice %arg2[%add3A_23, %dma_start3A_30] : memref<16384x128xf32, #tpu.memory_space<hbm>> -> memref<64x128xf32, #tpu.memory_space<hbm>>
    %dma_start3A_32 = tpu.memref_slice %arg11[%dma_start3A_25] : memref<8x!tpu.dma_semaphore, #tpu.memory_space<semaphore_mem>> -> memref<1x!tpu.dma_semaphore, #tpu.memory_space<semaphore_mem>>
    %dma_start3A_33 = tpu.memref_squeeze %dma_start3A_32 : memref<1x!tpu.dma_semaphore, #tpu.memory_space<semaphore_mem>> -> memref<!tpu.dma_semaphore, #tpu.memory_space<semaphore_mem>>
    %dma_start3A_34 = arith.constant 0 : i32
    %dma_start3A_35 = arith.constant 0 : i32
    %dma_start3A_36 = tpu.memref_slice %arg8[%dma_start3A_24, %dma_start3A_34, %dma_start3A_35] : memref<8x64x128xf32, #tpu.memory_space<vmem>> -> memref<1x64x128xf32, #tpu.memory_space<vmem>>
    %dma_start3A_37 = tpu.memref_squeeze %dma_start3A_36 : memref<1x64x128xf32, #tpu.memory_space<vmem>> -> memref<64x128xf32, #tpu.memory_space<vmem>>
    %dma_start3A_38 = arith.constant 0 : i32
    %dma_start3A_39 = tpu.memref_slice %arg2[%add3A_23, %dma_start3A_38] : memref<16384x128xf32, #tpu.memory_space<hbm>> -> memref<64x128xf32, #tpu.memory_space<hbm>>
    tpu.enqueue_dma source(%dma_start3A_39 : memref<64x128xf32, #tpu.memory_space<hbm>>) target(%dma_start3A_37 : memref<64x128xf32, #tpu.memory_space<vmem>>) target_semaphore(%dma_start3A_33 : memref<!tpu.dma_semaphore, #tpu.memory_space<semaphore_mem>>)
    %add3A_40 = arith.constant 128 : i32
    %add3A_41 = arith.addi %mul3A_2, %add3A_40 : i32
    %dma_start3A_42 = arith.constant 2 : i32
    %dma_start3A_43 = arith.constant 2 : i32
    %dma_start3A_44 = arith.constant 0 : i32
    %dma_start3A_45 = arith.constant 0 : i32
    %dma_start3A_46 = tpu.memref_slice %arg8[%dma_start3A_42, %dma_start3A_44, %dma_start3A_45] : memref<8x64x128xf32, #tpu.memory_space<vmem>> -> memref<1x64x128xf32, #tpu.memory_space<vmem>>
    %dma_start3A_47 = tpu.memref_squeeze %dma_start3A_46 : memref<1x64x128xf32, #tpu.memory_space<vmem>> -> memref<64x128xf32, #tpu.memory_space<vmem>>
    %dma_start3A_48 = arith.constant 0 : i32
    %dma_start3A_49 = tpu.memref_slice %arg2[%add3A_41, %dma_start3A_48] : memref<16384x128xf32, #tpu.memory_space<hbm>> -> memref<64x128xf32, #tpu.memory_space<hbm>>
    %dma_start3A_50 = tpu.memref_slice %arg11[%dma_start3A_43] : memref<8x!tpu.dma_semaphore, #tpu.memory_space<semaphore_mem>> -> memref<1x!tpu.dma_semaphore, #tpu.memory_space<semaphore_mem>>
    %dma_start3A_51 = tpu.memref_squeeze %dma_start3A_50 : memref<1x!tpu.dma_semaphore, #tpu.memory_space<semaphore_mem>> -> memref<!tpu.dma_semaphore, #tpu.memory_space<semaphore_mem>>
    %dma_start3A_52 = arith.constant 0 : i32
    %dma_start3A_53 = arith.constant 0 : i32
    %dma_start3A_54 = tpu.memref_slice %arg8[%dma_start3A_42, %dma_start3A_52, %dma_start3A_53] : memref<8x64x128xf32, #tpu.memory_space<vmem>> -> memref<1x64x128xf32, #tpu.memory_space<vmem>>
    %dma_start3A_55 = tpu.memref_squeeze %dma_start3A_54 : memref<1x64x128xf32, #tpu.memory_space<vmem>> -> memref<64x128xf32, #tpu.memory_space<vmem>>
    %dma_start3A_56 = arith.constant 0 : i32
    %dma_start3A_57 = tpu.memref_slice %arg2[%add3A_41, %dma_start3A_56] : memref<16384x128xf32, #tpu.memory_space<hbm>> -> memref<64x128xf32, #tpu.memory_space<hbm>>
    tpu.enqueue_dma source(%dma_start3A_57 : memref<64x128xf32, #tpu.memory_space<hbm>>) target(%dma_start3A_55 : memref<64x128xf32, #tpu.memory_space<vmem>>) target_semaphore(%dma_start3A_51 : memref<!tpu.dma_semaphore, #tpu.memory_space<semaphore_mem>>)
    %add3A_58 = arith.constant 192 : i32
    %add3A_59 = arith.addi %mul3A_2, %add3A_58 : i32
    %dma_start3A_60 = arith.constant 3 : i32
    %dma_start3A_61 = arith.constant 3 : i32
    %dma_start3A_62 = arith.constant 0 : i32
    %dma_start3A_63 = arith.constant 0 : i32
    %dma_start3A_64 = tpu.memref_slice %arg8[%dma_start3A_60, %dma_start3A_62, %dma_start3A_63] : memref<8x64x128xf32, #tpu.memory_space<vmem>> -> memref<1x64x128xf32, #tpu.memory_space<vmem>>
    %dma_start3A_65 = tpu.memref_squeeze %dma_start3A_64 : memref<1x64x128xf32, #tpu.memory_space<vmem>> -> memref<64x128xf32, #tpu.memory_space<vmem>>
    %dma_start3A_66 = arith.constant 0 : i32
    %dma_start3A_67 = tpu.memref_slice %arg2[%add3A_59, %dma_start3A_66] : memref<16384x128xf32, #tpu.memory_space<hbm>> -> memref<64x128xf32, #tpu.memory_space<hbm>>
    %dma_start3A_68 = tpu.memref_slice %arg11[%dma_start3A_61] : memref<8x!tpu.dma_semaphore, #tpu.memory_space<semaphore_mem>> -> memref<1x!tpu.dma_semaphore, #tpu.memory_space<semaphore_mem>>
    %dma_start3A_69 = tpu.memref_squeeze %dma_start3A_68 : memref<1x!tpu.dma_semaphore, #tpu.memory_space<semaphore_mem>> -> memref<!tpu.dma_semaphore, #tpu.memory_space<semaphore_mem>>
    %dma_start3A_70 = arith.constant 0 : i32
    %dma_start3A_71 = arith.constant 0 : i32
    %dma_start3A_72 = tpu.memref_slice %arg8[%dma_start3A_60, %dma_start3A_70, %dma_start3A_71] : memref<8x64x128xf32, #tpu.memory_space<vmem>> -> memref<1x64x128xf32, #tpu.memory_space<vmem>>
    %dma_start3A_73 = tpu.memref_squeeze %dma_start3A_72 : memref<1x64x128xf32, #tpu.memory_space<vmem>> -> memref<64x128xf32, #tpu.memory_space<vmem>>
    %dma_start3A_74 = arith.constant 0 : i32
    %dma_start3A_75 = tpu.memref_slice %arg2[%add3A_59, %dma_start3A_74] : memref<16384x128xf32, #tpu.memory_space<hbm>> -> memref<64x128xf32, #tpu.memory_space<hbm>>
    tpu.enqueue_dma source(%dma_start3A_75 : memref<64x128xf32, #tpu.memory_space<hbm>>) target(%dma_start3A_73 : memref<64x128xf32, #tpu.memory_space<vmem>>) target_semaphore(%dma_start3A_69 : memref<!tpu.dma_semaphore, #tpu.memory_space<semaphore_mem>>)
    %add3A_76 = arith.constant 256 : i32
    %add3A_77 = arith.addi %mul3A_2, %add3A_76 : i32
    %dma_start3A_78 = arith.constant 4 : i32
    %dma_start3A_79 = arith.constant 4 : i32
    %dma_start3A_80 = arith.constant 0 : i32
    %dma_start3A_81 = arith.constant 0 : i32
    %dma_start3A_82 = tpu.memref_slice %arg8[%dma_start3A_78, %dma_start3A_80, %dma_start3A_81] : memref<8x64x128xf32, #tpu.memory_space<vmem>> -> memref<1x64x128xf32, #tpu.memory_space<vmem>>
    %dma_start3A_83 = tpu.memref_squeeze %dma_start3A_82 : memref<1x64x128xf32, #tpu.memory_space<vmem>> -> memref<64x128xf32, #tpu.memory_space<vmem>>
    %dma_start3A_84 = arith.constant 0 : i32
    %dma_start3A_85 = tpu.memref_slice %arg2[%add3A_77, %dma_start3A_84] : memref<16384x128xf32, #tpu.memory_space<hbm>> -> memref<64x128xf32, #tpu.memory_space<hbm>>
    %dma_start3A_86 = tpu.memref_slice %arg11[%dma_start3A_79] : memref<8x!tpu.dma_semaphore, #tpu.memory_space<semaphore_mem>> -> memref<1x!tpu.dma_semaphore, #tpu.memory_space<semaphore_mem>>
    %dma_start3A_87 = tpu.memref_squeeze %dma_start3A_86 : memref<1x!tpu.dma_semaphore, #tpu.memory_space<semaphore_mem>> -> memref<!tpu.dma_semaphore, #tpu.memory_space<semaphore_mem>>
    %dma_start3A_88 = arith.constant 0 : i32
    %dma_start3A_89 = arith.constant 0 : i32
    %dma_start3A_90 = tpu.memref_slice %arg8[%dma_start3A_78, %dma_start3A_88, %dma_start3A_89] : memref<8x64x128xf32, #tpu.memory_space<vmem>> -> memref<1x64x128xf32, #tpu.memory_space<vmem>>
    %dma_start3A_91 = tpu.memref_squeeze %dma_start3A_90 : memref<1x64x128xf32, #tpu.memory_space<vmem>> -> memref<64x128xf32, #tpu.memory_space<vmem>>
    %dma_start3A_92 = arith.constant 0 : i32
    %dma_start3A_93 = tpu.memref_slice %arg2[%add3A_77, %dma_start3A_92] : memref<16384x128xf32, #tpu.memory_space<hbm>> -> memref<64x128xf32, #tpu.memory_space<hbm>>
    tpu.enqueue_dma source(%dma_start3A_93 : memref<64x128xf32, #tpu.memory_space<hbm>>) target(%dma_start3A_91 : memref<64x128xf32, #tpu.memory_space<vmem>>) target_semaphore(%dma_start3A_87 : memref<!tpu.dma_semaphore, #tpu.memory_space<semaphore_mem>>)
    %add3A_94 = arith.constant 320 : i32
    %add3A_95 = arith.addi %mul3A_2, %add3A_94 : i32
    %dma_start3A_96 = arith.constant 5 : i32
    %dma_start3A_97 = arith.constant 5 : i32
    %dma_start3A_98 = arith.constant 0 : i32
    %dma_start3A_99 = arith.constant 0 : i32
    %dma_start3A_100 = tpu.memref_slice %arg8[%dma_start3A_96, %dma_start3A_98, %dma_start3A_99] : memref<8x64x128xf32, #tpu.memory_space<vmem>> -> memref<1x64x128xf32, #tpu.memory_space<vmem>>
    %dma_start3A_101 = tpu.memref_squeeze %dma_start3A_100 : memref<1x64x128xf32, #tpu.memory_space<vmem>> -> memref<64x128xf32, #tpu.memory_space<vmem>>
    %dma_start3A_102 = arith.constant 0 : i32
    %dma_start3A_103 = tpu.memref_slice %arg2[%add3A_95, %dma_start3A_102] : memref<16384x128xf32, #tpu.memory_space<hbm>> -> memref<64x128xf32, #tpu.memory_space<hbm>>
    %dma_start3A_104 = tpu.memref_slice %arg11[%dma_start3A_97] : memref<8x!tpu.dma_semaphore, #tpu.memory_space<semaphore_mem>> -> memref<1x!tpu.dma_semaphore, #tpu.memory_space<semaphore_mem>>
    %dma_start3A_105 = tpu.memref_squeeze %dma_start3A_104 : memref<1x!tpu.dma_semaphore, #tpu.memory_space<semaphore_mem>> -> memref<!tpu.dma_semaphore, #tpu.memory_space<semaphore_mem>>
    %dma_start3A_106 = arith.constant 0 : i32
    %dma_start3A_107 = arith.constant 0 : i32
    %dma_start3A_108 = tpu.memref_slice %arg8[%dma_start3A_96, %dma_start3A_106, %dma_start3A_107] : memref<8x64x128xf32, #tpu.memory_space<vmem>> -> memref<1x64x128xf32, #tpu.memory_space<vmem>>
    %dma_start3A_109 = tpu.memref_squeeze %dma_start3A_108 : memref<1x64x128xf32, #tpu.memory_space<vmem>> -> memref<64x128xf32, #tpu.memory_space<vmem>>
    %dma_start3A_110 = arith.constant 0 : i32
    %dma_start3A_111 = tpu.memref_slice %arg2[%add3A_95, %dma_start3A_110] : memref<16384x128xf32, #tpu.memory_space<hbm>> -> memref<64x128xf32, #tpu.memory_space<hbm>>
    tpu.enqueue_dma source(%dma_start3A_111 : memref<64x128xf32, #tpu.memory_space<hbm>>) target(%dma_start3A_109 : memref<64x128xf32, #tpu.memory_space<vmem>>) target_semaphore(%dma_start3A_105 : memref<!tpu.dma_semaphore, #tpu.memory_space<semaphore_mem>>)
    %add3A_112 = arith.constant 384 : i32
    %add3A_113 = arith.addi %mul3A_2, %add3A_112 : i32
    %dma_start3A_114 = arith.constant 6 : i32
    %dma_start3A_115 = arith.constant 6 : i32
    %dma_start3A_116 = arith.constant 0 : i32
    %dma_start3A_117 = arith.constant 0 : i32
    %dma_start3A_118 = tpu.memref_slice %arg8[%dma_start3A_114, %dma_start3A_116, %dma_start3A_117] : memref<8x64x128xf32, #tpu.memory_space<vmem>> -> memref<1x64x128xf32, #tpu.memory_space<vmem>>
    %dma_start3A_119 = tpu.memref_squeeze %dma_start3A_118 : memref<1x64x128xf32, #tpu.memory_space<vmem>> -> memref<64x128xf32, #tpu.memory_space<vmem>>
    %dma_start3A_120 = arith.constant 0 : i32
    %dma_start3A_121 = tpu.memref_slice %arg2[%add3A_113, %dma_start3A_120] : memref<16384x128xf32, #tpu.memory_space<hbm>> -> memref<64x128xf32, #tpu.memory_space<hbm>>
    %dma_start3A_122 = tpu.memref_slice %arg11[%dma_start3A_115] : memref<8x!tpu.dma_semaphore, #tpu.memory_space<semaphore_mem>> -> memref<1x!tpu.dma_semaphore, #tpu.memory_space<semaphore_mem>>
    %dma_start3A_123 = tpu.memref_squeeze %dma_start3A_122 : memref<1x!tpu.dma_semaphore, #tpu.memory_space<semaphore_mem>> -> memref<!tpu.dma_semaphore, #tpu.memory_space<semaphore_mem>>
    %dma_start3A_124 = arith.constant 0 : i32
    %dma_start3A_125 = arith.constant 0 : i32
    %dma_start3A_126 = tpu.memref_slice %arg8[%dma_start3A_114, %dma_start3A_124, %dma_start3A_125] : memref<8x64x128xf32, #tpu.memory_space<vmem>> -> memref<1x64x128xf32, #tpu.memory_space<vmem>>
    %dma_start3A_127 = tpu.memref_squeeze %dma_start3A_126 : memref<1x64x128xf32, #tpu.memory_space<vmem>> -> memref<64x128xf32, #tpu.memory_space<vmem>>
    %dma_start3A_128 = arith.constant 0 : i32
    %dma_start3A_129 = tpu.memref_slice %arg2[%add3A_113, %dma_start3A_128] : memref<16384x128xf32, #tpu.memory_space<hbm>> -> memref<64x128xf32, #tpu.memory_space<hbm>>
    tpu.enqueue_dma source(%dma_start3A_129 : memref<64x128xf32, #tpu.memory_space<hbm>>) target(%dma_start3A_127 : memref<64x128xf32, #tpu.memory_space<vmem>>) target_semaphore(%dma_start3A_123 : memref<!tpu.dma_semaphore, #tpu.memory_space<semaphore_mem>>)
    %add3A_130 = arith.constant 448 : i32
    %add3A_131 = arith.addi %mul3A_2, %add3A_130 : i32
    %dma_start3A_132 = arith.constant 7 : i32
    %dma_start3A_133 = arith.constant 7 : i32
    %dma_start3A_134 = arith.constant 0 : i32
    %dma_start3A_135 = arith.constant 0 : i32
    %dma_start3A_136 = tpu.memref_slice %arg8[%dma_start3A_132, %dma_start3A_134, %dma_start3A_135] : memref<8x64x128xf32, #tpu.memory_space<vmem>> -> memref<1x64x128xf32, #tpu.memory_space<vmem>>
    %dma_start3A_137 = tpu.memref_squeeze %dma_start3A_136 : memref<1x64x128xf32, #tpu.memory_space<vmem>> -> memref<64x128xf32, #tpu.memory_space<vmem>>
    %dma_start3A_138 = arith.constant 0 : i32
    %dma_start3A_139 = tpu.memref_slice %arg2[%add3A_131, %dma_start3A_138] : memref<16384x128xf32, #tpu.memory_space<hbm>> -> memref<64x128xf32, #tpu.memory_space<hbm>>
    %dma_start3A_140 = tpu.memref_slice %arg11[%dma_start3A_133] : memref<8x!tpu.dma_semaphore, #tpu.memory_space<semaphore_mem>> -> memref<1x!tpu.dma_semaphore, #tpu.memory_space<semaphore_mem>>
    %dma_start3A_141 = tpu.memref_squeeze %dma_start3A_140 : memref<1x!tpu.dma_semaphore, #tpu.memory_space<semaphore_mem>> -> memref<!tpu.dma_semaphore, #tpu.memory_space<semaphore_mem>>
    %dma_start3A_142 = arith.constant 0 : i32
    %dma_start3A_143 = arith.constant 0 : i32
    %dma_start3A_144 = tpu.memref_slice %arg8[%dma_start3A_132, %dma_start3A_142, %dma_start3A_143] : memref<8x64x128xf32, #tpu.memory_space<vmem>> -> memref<1x64x128xf32, #tpu.memory_space<vmem>>
    %dma_start3A_145 = tpu.memref_squeeze %dma_start3A_144 : memref<1x64x128xf32, #tpu.memory_space<vmem>> -> memref<64x128xf32, #tpu.memory_space<vmem>>
    %dma_start3A_146 = arith.constant 0 : i32
    %dma_start3A_147 = tpu.memref_slice %arg2[%add3A_131, %dma_start3A_146] : memref<16384x128xf32, #tpu.memory_space<hbm>> -> memref<64x128xf32, #tpu.memory_space<hbm>>
    tpu.enqueue_dma source(%dma_start3A_147 : memref<64x128xf32, #tpu.memory_space<hbm>>) target(%dma_start3A_145 : memref<64x128xf32, #tpu.memory_space<vmem>>) target_semaphore(%dma_start3A_141 : memref<!tpu.dma_semaphore, #tpu.memory_space<semaphore_mem>>)
    %add3A_148 = arith.constant 0 : i32
    %add3A_149 = arith.addi %mul3A_2, %add3A_148 : i32
    %dma_start3A_150 = arith.constant 0 : i32
    %dma_start3A_151 = arith.constant 0 : i32
    %dma_start3A_152 = arith.constant 0 : i32
    %dma_start3A_153 = arith.constant 0 : i32
    %dma_start3A_154 = tpu.memref_slice %arg9[%dma_start3A_150, %dma_start3A_152, %dma_start3A_153] : memref<2x64x128xf32, #tpu.memory_space<vmem>> -> memref<1x64x128xf32, #tpu.memory_space<vmem>>
    %dma_start3A_155 = tpu.memref_squeeze %dma_start3A_154 : memref<1x64x128xf32, #tpu.memory_space<vmem>> -> memref<64x128xf32, #tpu.memory_space<vmem>>
    %dma_start3A_156 = arith.constant 0 : i32
    %dma_start3A_157 = tpu.memref_slice %arg4[%add3A_149, %dma_start3A_156] : memref<16384x128xf32, #tpu.memory_space<hbm>> -> memref<64x128xf32, #tpu.memory_space<hbm>>
    %dma_start3A_158 = tpu.memref_slice %arg12[%dma_start3A_151] : memref<2x!tpu.dma_semaphore, #tpu.memory_space<semaphore_mem>> -> memref<1x!tpu.dma_semaphore, #tpu.memory_space<semaphore_mem>>
    %dma_start3A_159 = tpu.memref_squeeze %dma_start3A_158 : memref<1x!tpu.dma_semaphore, #tpu.memory_space<semaphore_mem>> -> memref<!tpu.dma_semaphore, #tpu.memory_space<semaphore_mem>>
    %dma_start3A_160 = arith.constant 0 : i32
    %dma_start3A_161 = arith.constant 0 : i32
    %dma_start3A_162 = tpu.memref_slice %arg9[%dma_start3A_150, %dma_start3A_160, %dma_start3A_161] : memref<2x64x128xf32, #tpu.memory_space<vmem>> -> memref<1x64x128xf32, #tpu.memory_space<vmem>>
    %dma_start3A_163 = tpu.memref_squeeze %dma_start3A_162 : memref<1x64x128xf32, #tpu.memory_space<vmem>> -> memref<64x128xf32, #tpu.memory_space<vmem>>
    %dma_start3A_164 = arith.constant 0 : i32
    %dma_start3A_165 = tpu.memref_slice %arg4[%add3A_149, %dma_start3A_164] : memref<16384x128xf32, #tpu.memory_space<hbm>> -> memref<64x128xf32, #tpu.memory_space<hbm>>
    tpu.enqueue_dma source(%dma_start3A_165 : memref<64x128xf32, #tpu.memory_space<hbm>>) target(%dma_start3A_163 : memref<64x128xf32, #tpu.memory_space<vmem>>) target_semaphore(%dma_start3A_159 : memref<!tpu.dma_semaphore, #tpu.memory_space<semaphore_mem>>)
    %add3A_166 = arith.constant 64 : i32
    %add3A_167 = arith.addi %mul3A_2, %add3A_166 : i32
    %dma_start3A_168 = arith.constant 1 : i32
    %dma_start3A_169 = arith.constant 1 : i32
    %dma_start3A_170 = arith.constant 0 : i32
    %dma_start3A_171 = arith.constant 0 : i32
    %dma_start3A_172 = tpu.memref_slice %arg9[%dma_start3A_168, %dma_start3A_170, %dma_start3A_171] : memref<2x64x128xf32, #tpu.memory_space<vmem>> -> memref<1x64x128xf32, #tpu.memory_space<vmem>>
    %dma_start3A_173 = tpu.memref_squeeze %dma_start3A_172 : memref<1x64x128xf32, #tpu.memory_space<vmem>> -> memref<64x128xf32, #tpu.memory_space<vmem>>
    %dma_start3A_174 = arith.constant 0 : i32
    %dma_start3A_175 = tpu.memref_slice %arg4[%add3A_167, %dma_start3A_174] : memref<16384x128xf32, #tpu.memory_space<hbm>> -> memref<64x128xf32, #tpu.memory_space<hbm>>
    %dma_start3A_176 = tpu.memref_slice %arg12[%dma_start3A_169] : memref<2x!tpu.dma_semaphore, #tpu.memory_space<semaphore_mem>> -> memref<1x!tpu.dma_semaphore, #tpu.memory_space<semaphore_mem>>
    %dma_start3A_177 = tpu.memref_squeeze %dma_start3A_176 : memref<1x!tpu.dma_semaphore, #tpu.memory_space<semaphore_mem>> -> memref<!tpu.dma_semaphore, #tpu.memory_space<semaphore_mem>>
    %dma_start3A_178 = arith.constant 0 : i32
    %dma_start3A_179 = arith.constant 0 : i32
    %dma_start3A_180 = tpu.memref_slice %arg9[%dma_start3A_168, %dma_start3A_178, %dma_start3A_179] : memref<2x64x128xf32, #tpu.memory_space<vmem>> -> memref<1x64x128xf32, #tpu.memory_space<vmem>>
    %dma_start3A_181 = tpu.memref_squeeze %dma_start3A_180 : memref<1x64x128xf32, #tpu.memory_space<vmem>> -> memref<64x128xf32, #tpu.memory_space<vmem>>
    %dma_start3A_182 = arith.constant 0 : i32
    %dma_start3A_183 = tpu.memref_slice %arg4[%add3A_167, %dma_start3A_182] : memref<16384x128xf32, #tpu.memory_space<hbm>> -> memref<64x128xf32, #tpu.memory_space<hbm>>
    tpu.enqueue_dma source(%dma_start3A_183 : memref<64x128xf32, #tpu.memory_space<hbm>>) target(%dma_start3A_181 : memref<64x128xf32, #tpu.memory_space<vmem>>) target_semaphore(%dma_start3A_177 : memref<!tpu.dma_semaphore, #tpu.memory_space<semaphore_mem>>)
    %dma_wait3A = tpu.memref_slice %arg3[%mul3A_2] : memref<16384xi32, #tpu.memory_space<hbm>> -> memref<512xi32, #tpu.memory_space<hbm>>
    %dma_wait3A_184 = tpu.memref_slice %arg3[%mul3A_2] : memref<16384xi32, #tpu.memory_space<hbm>> -> memref<512xi32, #tpu.memory_space<hbm>>
    tpu.wait_dma2 semaphore(%arg13 : memref<!tpu.dma_semaphore, #tpu.memory_space<semaphore_mem>>) src(%dma_wait3A_184 : memref<512xi32, #tpu.memory_space<hbm>>) dst(%arg7 : memref<512xi32, #tpu.memory_space<vmem>>)
    %scan3A = arith.constant 0 : i32
    %scan3A_185 = arith.constant 0 : i32
    %scan3A_186 = arith.constant 8 : i32
    %scan3A_187 = arith.addi %scan3A_185, %scan3A_186 : i32
    %scan3A_188 = arith.constant 1 : i32
    %scan3A_189 = scf.for %scan3A_202 = %scan3A_185 to %scan3A_187 step %scan3A_188 iter_args(%scan3A_203 = %scan3A) -> (i32)  : i32 {
      %mul3A_204 = arith.constant 64 : i32
      %mul3A_205 = arith.muli %scan3A_202, %mul3A_204 : i32
      %add3A_206 = arith.addi %mul3A_2, %mul3A_205 : i32
      %dma_wait3A_207 = arith.constant 0 : i32
      %dma_wait3A_208 = arith.constant 0 : i32
      %dma_wait3A_209 = tpu.memref_slice %arg8[%scan3A_202, %dma_wait3A_207, %dma_wait3A_208] : memref<8x64x128xf32, #tpu.memory_space<vmem>> -> memref<1x64x128xf32, #tpu.memory_space<vmem>>
      %dma_wait3A_210 = tpu.memref_squeeze %dma_wait3A_209 : memref<1x64x128xf32, #tpu.memory_space<vmem>> -> memref<64x128xf32, #tpu.memory_space<vmem>>
      %dma_wait3A_211 = arith.constant 0 : i32
      %dma_wait3A_212 = tpu.memref_slice %arg2[%add3A_206, %dma_wait3A_211] : memref<16384x128xf32, #tpu.memory_space<hbm>> -> memref<64x128xf32, #tpu.memory_space<hbm>>
      %dma_wait3A_213 = tpu.memref_slice %arg11[%scan3A_202] : memref<8x!tpu.dma_semaphore, #tpu.memory_space<semaphore_mem>> -> memref<1x!tpu.dma_semaphore, #tpu.memory_space<semaphore_mem>>
      %dma_wait3A_214 = tpu.memref_squeeze %dma_wait3A_213 : memref<1x!tpu.dma_semaphore, #tpu.memory_space<semaphore_mem>> -> memref<!tpu.dma_semaphore, #tpu.memory_space<semaphore_mem>>
      %dma_wait3A_215 = arith.constant 0 : i32
      %dma_wait3A_216 = arith.constant 0 : i32
      %dma_wait3A_217 = tpu.memref_slice %arg8[%scan3A_202, %dma_wait3A_215, %dma_wait3A_216] : memref<8x64x128xf32, #tpu.memory_space<vmem>> -> memref<1x64x128xf32, #tpu.memory_space<vmem>>
      %dma_wait3A_218 = tpu.memref_squeeze %dma_wait3A_217 : memref<1x64x128xf32, #tpu.memory_space<vmem>> -> memref<64x128xf32, #tpu.memory_space<vmem>>
      %dma_wait3A_219 = arith.constant 0 : i32
      %dma_wait3A_220 = tpu.memref_slice %arg2[%add3A_206, %dma_wait3A_219] : memref<16384x128xf32, #tpu.memory_space<hbm>> -> memref<64x128xf32, #tpu.memory_space<hbm>>
      tpu.wait_dma2 semaphore(%dma_wait3A_214 : memref<!tpu.dma_semaphore, #tpu.memory_space<semaphore_mem>>) src(%dma_wait3A_220 : memref<64x128xf32, #tpu.memory_space<hbm>>) dst(%dma_wait3A_218 : memref<64x128xf32, #tpu.memory_space<vmem>>)
      %mul3A_221 = arith.constant 64 : i32
      %mul3A_222 = arith.muli %scan3A_202, %mul3A_221 : i32
      %dma_start3A_223 = arith.constant 0 : i32
      %dma_start3A_224 = arith.constant 0 : i32
      %dma_start3A_225 = tpu.memref_slice %arg8[%scan3A_202, %dma_start3A_223, %dma_start3A_224] : memref<8x64x128xf32, #tpu.memory_space<vmem>> -> memref<1x64x128xf32, #tpu.memory_space<vmem>>
      %dma_start3A_226 = tpu.memref_squeeze %dma_start3A_225 : memref<1x64x128xf32, #tpu.memory_space<vmem>> -> memref<64x128xf32, #tpu.memory_space<vmem>>
      %dma_start3A_227 = tpu.memref_slice %arg7[%mul3A_222] : memref<512xi32, #tpu.memory_space<vmem>> -> memref<64xi32, #tpu.memory_space<vmem>>
      %dma_start3A_228 = arith.constant 0 : i32
      %dma_start3A_229 = arith.constant 0 : i32
      %dma_start3A_230 = tpu.memref_slice %arg5[%dma_start3A_228, %dma_start3A_229] : memref<100000x128xf32, #tpu.memory_space<hbm>> -> memref<100000x128xf32, #tpu.memory_space<hbm>>
      %dma_start3A_231 = tpu.memref_slice %arg11[%scan3A_202] : memref<8x!tpu.dma_semaphore, #tpu.memory_space<semaphore_mem>> -> memref<1x!tpu.dma_semaphore, #tpu.memory_space<semaphore_mem>>
      %dma_start3A_232 = tpu.memref_squeeze %dma_start3A_231 : memref<1x!tpu.dma_semaphore, #tpu.memory_space<semaphore_mem>> -> memref<!tpu.dma_semaphore, #tpu.memory_space<semaphore_mem>>
      tpu.enqueue_indirect_dma source(%dma_start3A_230 : memref<100000x128xf32, #tpu.memory_space<hbm>>) target(%dma_start3A_226 : memref<64x128xf32, #tpu.memory_space<vmem>>) offsets(%dma_start3A_227 : memref<64xi32, #tpu.memory_space<vmem>>) semaphore(%dma_start3A_232 : memref<!tpu.dma_semaphore, #tpu.memory_space<semaphore_mem>>) {add = true}
      %scan3A_233 = arith.constant 0 : i32
      scf.yield %scan3A_233 : i32
    }
    %scan3A_190 = arith.constant 8 : i32
    %iota3A = tpu.iota {dimensions = array<i32: 0>} : vector<16xi32>
    %scan3A_191 = arith.constant 0 : i32
    %scan3A_192 = arith.constant 0 : i32
    %scan3A_193 = arith.constant 8 : i32
    %scan3A_194 = arith.addi %scan3A_192, %scan3A_193 : i32
    %scan3A_195 = arith.constant 1 : i32
    %scan3A_196 = scf.for %scan3A_202 = %scan3A_192 to %scan3A_194 step %scan3A_195 iter_args(%scan3A_203 = %scan3A_191) -> (i32)  : i32 {
      %jit3A = arith.constant 2 : i32
      %eq3A = arith.constant 0 : i32
      %eq3A_204 = arith.cmpi eq, %jit3A, %eq3A : i32
      %jit3A_205 = arith.constant 1 : i32
      %select_n3A = arith.select %eq3A_204, %jit3A_205, %jit3A : i32
      %rem3A = arith.remsi %scan3A_202, %select_n3A : i32
      %ne3A = arith.constant 0 : i32
      %ne3A_206 = arith.cmpi ne, %rem3A, %ne3A : i32
      %lt3A = arith.constant 0 : i32
      %lt3A_207 = arith.cmpi slt, %rem3A, %lt3A : i32
      %lt3A_208 = arith.constant 0 : i32
      %lt3A_209 = arith.cmpi slt, %select_n3A, %lt3A_208 : i32
      %ne3A_210 = arith.xori %lt3A_207, %lt3A_209 : i1
      %and3A = arith.andi %ne3A_210, %ne3A_206 : i1
      %add3A_211 = arith.addi %rem3A, %select_n3A : i32
      %select_n3A_212 = arith.select %and3A, %add3A_211, %rem3A : i32
      %mul3A_213 = arith.constant 64 : i32
      %mul3A_214 = arith.muli %scan3A_202, %mul3A_213 : i32
      %add3A_215 = arith.addi %mul3A_2, %mul3A_214 : i32
      %dma_wait3A_216 = arith.constant 0 : i32
      %dma_wait3A_217 = arith.constant 0 : i32
      %dma_wait3A_218 = tpu.memref_slice %arg9[%select_n3A_212, %dma_wait3A_216, %dma_wait3A_217] : memref<2x64x128xf32, #tpu.memory_space<vmem>> -> memref<1x64x128xf32, #tpu.memory_space<vmem>>
      %dma_wait3A_219 = tpu.memref_squeeze %dma_wait3A_218 : memref<1x64x128xf32, #tpu.memory_space<vmem>> -> memref<64x128xf32, #tpu.memory_space<vmem>>
      %dma_wait3A_220 = arith.constant 0 : i32
      %dma_wait3A_221 = tpu.memref_slice %arg4[%add3A_215, %dma_wait3A_220] : memref<16384x128xf32, #tpu.memory_space<hbm>> -> memref<64x128xf32, #tpu.memory_space<hbm>>
      %dma_wait3A_222 = tpu.memref_slice %arg12[%select_n3A_212] : memref<2x!tpu.dma_semaphore, #tpu.memory_space<semaphore_mem>> -> memref<1x!tpu.dma_semaphore, #tpu.memory_space<semaphore_mem>>
      %dma_wait3A_223 = tpu.memref_squeeze %dma_wait3A_222 : memref<1x!tpu.dma_semaphore, #tpu.memory_space<semaphore_mem>> -> memref<!tpu.dma_semaphore, #tpu.memory_space<semaphore_mem>>
      %dma_wait3A_224 = arith.constant 0 : i32
      %dma_wait3A_225 = arith.constant 0 : i32
      %dma_wait3A_226 = tpu.memref_slice %arg9[%select_n3A_212, %dma_wait3A_224, %dma_wait3A_225] : memref<2x64x128xf32, #tpu.memory_space<vmem>> -> memref<1x64x128xf32, #tpu.memory_space<vmem>>
      %dma_wait3A_227 = tpu.memref_squeeze %dma_wait3A_226 : memref<1x64x128xf32, #tpu.memory_space<vmem>> -> memref<64x128xf32, #tpu.memory_space<vmem>>
      %dma_wait3A_228 = arith.constant 0 : i32
      %dma_wait3A_229 = tpu.memref_slice %arg4[%add3A_215, %dma_wait3A_228] : memref<16384x128xf32, #tpu.memory_space<hbm>> -> memref<64x128xf32, #tpu.memory_space<hbm>>
      tpu.wait_dma2 semaphore(%dma_wait3A_223 : memref<!tpu.dma_semaphore, #tpu.memory_space<semaphore_mem>>) src(%dma_wait3A_229 : memref<64x128xf32, #tpu.memory_space<hbm>>) dst(%dma_wait3A_227 : memref<64x128xf32, #tpu.memory_space<vmem>>)
      %mul3A_230 = arith.constant 64 : i32
      %mul3A_231 = arith.muli %scan3A_202, %mul3A_230 : i32
      %dma_wait3A_232 = arith.constant 0 : i32
      %dma_wait3A_233 = arith.constant 0 : i32
      %dma_wait3A_234 = tpu.memref_slice %arg8[%scan3A_202, %dma_wait3A_232, %dma_wait3A_233] : memref<8x64x128xf32, #tpu.memory_space<vmem>> -> memref<1x64x128xf32, #tpu.memory_space<vmem>>
      %dma_wait3A_235 = tpu.memref_squeeze %dma_wait3A_234 : memref<1x64x128xf32, #tpu.memory_space<vmem>> -> memref<64x128xf32, #tpu.memory_space<vmem>>
      %dma_wait3A_236 = tpu.memref_slice %arg7[%mul3A_231] : memref<512xi32, #tpu.memory_space<vmem>> -> memref<64xi32, #tpu.memory_space<vmem>>
      %dma_wait3A_237 = arith.constant 0 : i32
      %dma_wait3A_238 = arith.constant 0 : i32
      %dma_wait3A_239 = tpu.memref_slice %arg5[%dma_wait3A_237, %dma_wait3A_238] : memref<100000x128xf32, #tpu.memory_space<hbm>> -> memref<100000x128xf32, #tpu.memory_space<hbm>>
      %dma_wait3A_240 = tpu.memref_slice %arg11[%scan3A_202] : memref<8x!tpu.dma_semaphore, #tpu.memory_space<semaphore_mem>> -> memref<1x!tpu.dma_semaphore, #tpu.memory_space<semaphore_mem>>
      %dma_wait3A_241 = tpu.memref_squeeze %dma_wait3A_240 : memref<1x!tpu.dma_semaphore, #tpu.memory_space<semaphore_mem>> -> memref<!tpu.dma_semaphore, #tpu.memory_space<semaphore_mem>>
      tpu.wait_indirect_dma semaphore(%dma_wait3A_241 : memref<!tpu.dma_semaphore, #tpu.memory_space<semaphore_mem>>) src(%dma_wait3A_239 : memref<100000x128xf32, #tpu.memory_space<hbm>>) dst(%dma_wait3A_235 : memref<64x128xf32, #tpu.memory_space<vmem>>)
      %scan3A_242 = arith.constant 0 : i32
      %scan3A_243 = arith.constant 0 : i32
      %scan3A_244 = arith.constant 4 : i32
      %scan3A_245 = arith.addi %scan3A_243, %scan3A_244 : i32
      %scan3A_246 = arith.constant 1 : i32
      %scan3A_247 = scf.for %scan3A_255 = %scan3A_243 to %scan3A_245 step %scan3A_246 iter_args(%scan3A_256 = %scan3A_242) -> (i32)  : i32 {
        %mul3A_257 = arith.constant 16 : i32
        %mul3A_258 = arith.muli %scan3A_255, %mul3A_257 : i32
        %add3A_259 = vector.broadcast %mul3A_258 : i32 to vector<16xi32>
        %add3A_260 = arith.addi %iota3A, %add3A_259 : vector<16xi32>
        %broadcast_in_dim3A = arith.constant 0.000000e+00 : f32
        %broadcast_in_dim3A_261 = vector.broadcast %broadcast_in_dim3A : f32 to vector<16xf32>
        %scan3A_262 = arith.constant 0 : i32
        %scan3A_263 = arith.constant 128 : i32
        %scan3A_264 = arith.addi %scan3A_262, %scan3A_263 : i32
        %scan3A_265 = arith.constant 4 : i32
        %scan3A_266 = scf.for %scan3A_306 = %scan3A_262 to %scan3A_264 step %scan3A_265 iter_args(%scan3A_307 = %broadcast_in_dim3A_261) -> (vector<16xf32>)  : i32 {
          %add3A_308 = vector.broadcast %scan3A_306 : i32 to vector<16xi32>
          %add3A_309 = arith.addi %iota3A, %add3A_308 : vector<16xi32>
          %and3A_310 = arith.constant 127 : i32
          %and3A_311 = vector.broadcast %and3A_310 : i32 to vector<16xi32>
          %and3A_312 = arith.andi %add3A_309, %and3A_311 : vector<16xi32>
          %gather3A = arith.constant 0 : i32
          %gather3A_313 = arith.constant 0 : i32
          %gather3A_314 = tpu.memref_slice %arg8[%scan3A_202, %gather3A, %gather3A_313] : memref<8x64x128xf32, #tpu.memory_space<vmem>> -> memref<1x64x128xf32, #tpu.memory_space<vmem>>
          %gather3A_315 = tpu.memref_squeeze %gather3A_314 : memref<1x64x128xf32, #tpu.memory_space<vmem>> -> memref<64x128xf32, #tpu.memory_space<vmem>>
          %gather3A_316 = tpu.vector_load_idx %gather3A_315[%add3A_260, %and3A_312] : memref<64x128xf32, #tpu.memory_space<vmem>>[vector<16xi32>, vector<16xi32>], vector<16xf32>,
          %gather3A_317 = arith.constant 0 : i32
          %gather3A_318 = arith.constant 0 : i32
          %gather3A_319 = tpu.memref_slice %arg9[%select_n3A_212, %gather3A_317, %gather3A_318] : memref<2x64x128xf32, #tpu.memory_space<vmem>> -> memref<1x64x128xf32, #tpu.memory_space<vmem>>
          %gather3A_320 = tpu.memref_squeeze %gather3A_319 : memref<1x64x128xf32, #tpu.memory_space<vmem>> -> memref<64x128xf32, #tpu.memory_space<vmem>>
          %gather3A_321 = tpu.vector_load_idx %gather3A_320[%add3A_260, %and3A_312] : memref<64x128xf32, #tpu.memory_space<vmem>>[vector<16xi32>, vector<16xi32>], vector<16xf32>,
          %sub3A_322 = arith.subf %gather3A_316, %gather3A_321 : vector<16xf32>
          %mul3A_323 = arith.mulf %sub3A_322, %sub3A_322 : vector<16xf32>
          %add3A_324 = arith.addf %scan3A_307, %mul3A_323 : vector<16xf32>
          %scan3A_325 = arith.constant 1 : i32
          %scan3A_326 = arith.addi %scan3A_306, %scan3A_325 : i32
          %add3A_327 = vector.broadcast %scan3A_326 : i32 to vector<16xi32>
          %add3A_328 = arith.addi %iota3A, %add3A_327 : vector<16xi32>
          %and3A_329 = arith.constant 127 : i32
          %and3A_330 = vector.broadcast %and3A_329 : i32 to vector<16xi32>
          %and3A_331 = arith.andi %add3A_328, %and3A_330 : vector<16xi32>
          %gather3A_332 = arith.constant 0 : i32
          %gather3A_333 = arith.constant 0 : i32
          %gather3A_334 = tpu.memref_slice %arg8[%scan3A_202, %gather3A_332, %gather3A_333] : memref<8x64x128xf32, #tpu.memory_space<vmem>> -> memref<1x64x128xf32, #tpu.memory_space<vmem>>
          %gather3A_335 = tpu.memref_squeeze %gather3A_334 : memref<1x64x128xf32, #tpu.memory_space<vmem>> -> memref<64x128xf32, #tpu.memory_space<vmem>>
          %gather3A_336 = tpu.vector_load_idx %gather3A_335[%add3A_260, %and3A_331] : memref<64x128xf32, #tpu.memory_space<vmem>>[vector<16xi32>, vector<16xi32>], vector<16xf32>,
          %gather3A_337 = arith.constant 0 : i32
          %gather3A_338 = arith.constant 0 : i32
          %gather3A_339 = tpu.memref_slice %arg9[%select_n3A_212, %gather3A_337, %gather3A_338] : memref<2x64x128xf32, #tpu.memory_space<vmem>> -> memref<1x64x128xf32, #tpu.memory_space<vmem>>
          %gather3A_340 = tpu.memref_squeeze %gather3A_339 : memref<1x64x128xf32, #tpu.memory_space<vmem>> -> memref<64x128xf32, #tpu.memory_space<vmem>>
          %gather3A_341 = tpu.vector_load_idx %gather3A_340[%add3A_260, %and3A_331] : memref<64x128xf32, #tpu.memory_space<vmem>>[vector<16xi32>, vector<16xi32>], vector<16xf32>,
          %sub3A_342 = arith.subf %gather3A_336, %gather3A_341 : vector<16xf32>
          %mul3A_343 = arith.mulf %sub3A_342, %sub3A_342 : vector<16xf32>
          %add3A_344 = arith.addf %add3A_324, %mul3A_343 : vector<16xf32>
          %scan3A_345 = arith.constant 2 : i32
          %scan3A_346 = arith.addi %scan3A_306, %scan3A_345 : i32
          %add3A_347 = vector.broadcast %scan3A_346 : i32 to vector<16xi32>
          %add3A_348 = arith.addi %iota3A, %add3A_347 : vector<16xi32>
          %and3A_349 = arith.constant 127 : i32
          %and3A_350 = vector.broadcast %and3A_349 : i32 to vector<16xi32>
          %and3A_351 = arith.andi %add3A_348, %and3A_350 : vector<16xi32>
          %gather3A_352 = arith.constant 0 : i32
          %gather3A_353 = arith.constant 0 : i32
          %gather3A_354 = tpu.memref_slice %arg8[%scan3A_202, %gather3A_352, %gather3A_353] : memref<8x64x128xf32, #tpu.memory_space<vmem>> -> memref<1x64x128xf32, #tpu.memory_space<vmem>>
          %gather3A_355 = tpu.memref_squeeze %gather3A_354 : memref<1x64x128xf32, #tpu.memory_space<vmem>> -> memref<64x128xf32, #tpu.memory_space<vmem>>
          %gather3A_356 = tpu.vector_load_idx %gather3A_355[%add3A_260, %and3A_351] : memref<64x128xf32, #tpu.memory_space<vmem>>[vector<16xi32>, vector<16xi32>], vector<16xf32>,
          %gather3A_357 = arith.constant 0 : i32
          %gather3A_358 = arith.constant 0 : i32
          %gather3A_359 = tpu.memref_slice %arg9[%select_n3A_212, %gather3A_357, %gather3A_358] : memref<2x64x128xf32, #tpu.memory_space<vmem>> -> memref<1x64x128xf32, #tpu.memory_space<vmem>>
          %gather3A_360 = tpu.memref_squeeze %gather3A_359 : memref<1x64x128xf32, #tpu.memory_space<vmem>> -> memref<64x128xf32, #tpu.memory_space<vmem>>
          %gather3A_361 = tpu.vector_load_idx %gather3A_360[%add3A_260, %and3A_351] : memref<64x128xf32, #tpu.memory_space<vmem>>[vector<16xi32>, vector<16xi32>], vector<16xf32>,
          %sub3A_362 = arith.subf %gather3A_356, %gather3A_361 : vector<16xf32>
          %mul3A_363 = arith.mulf %sub3A_362, %sub3A_362 : vector<16xf32>
          %add3A_364 = arith.addf %add3A_344, %mul3A_363 : vector<16xf32>
          %scan3A_365 = arith.constant 3 : i32
          %scan3A_366 = arith.addi %scan3A_306, %scan3A_365 : i32
          %add3A_367 = vector.broadcast %scan3A_366 : i32 to vector<16xi32>
          %add3A_368 = arith.addi %iota3A, %add3A_367 : vector<16xi32>
          %and3A_369 = arith.constant 127 : i32
          %and3A_370 = vector.broadcast %and3A_369 : i32 to vector<16xi32>
          %and3A_371 = arith.andi %add3A_368, %and3A_370 : vector<16xi32>
          %gather3A_372 = arith.constant 0 : i32
          %gather3A_373 = arith.constant 0 : i32
          %gather3A_374 = tpu.memref_slice %arg8[%scan3A_202, %gather3A_372, %gather3A_373] : memref<8x64x128xf32, #tpu.memory_space<vmem>> -> memref<1x64x128xf32, #tpu.memory_space<vmem>>
          %gather3A_375 = tpu.memref_squeeze %gather3A_374 : memref<1x64x128xf32, #tpu.memory_space<vmem>> -> memref<64x128xf32, #tpu.memory_space<vmem>>
          %gather3A_376 = tpu.vector_load_idx %gather3A_375[%add3A_260, %and3A_371] : memref<64x128xf32, #tpu.memory_space<vmem>>[vector<16xi32>, vector<16xi32>], vector<16xf32>,
          %gather3A_377 = arith.constant 0 : i32
          %gather3A_378 = arith.constant 0 : i32
          %gather3A_379 = tpu.memref_slice %arg9[%select_n3A_212, %gather3A_377, %gather3A_378] : memref<2x64x128xf32, #tpu.memory_space<vmem>> -> memref<1x64x128xf32, #tpu.memory_space<vmem>>
          %gather3A_380 = tpu.memref_squeeze %gather3A_379 : memref<1x64x128xf32, #tpu.memory_space<vmem>> -> memref<64x128xf32, #tpu.memory_space<vmem>>
          %gather3A_381 = tpu.vector_load_idx %gather3A_380[%add3A_260, %and3A_371] : memref<64x128xf32, #tpu.memory_space<vmem>>[vector<16xi32>, vector<16xi32>], vector<16xf32>,
          %sub3A_382 = arith.subf %gather3A_376, %gather3A_381 : vector<16xf32>
          %mul3A_383 = arith.mulf %sub3A_382, %sub3A_382 : vector<16xf32>
          %add3A_384 = arith.addf %add3A_364, %mul3A_383 : vector<16xf32>
          scf.yield %add3A_384 : vector<16xf32>
        }
        %scan3A_267 = arith.constant 128 : i32
        %max3A = arith.constant 1.000000e-30 : f32
        %max3A_268 = vector.broadcast %max3A : f32 to vector<16xf32>
        %max3A_269 = arith.maximumf %scan3A_266, %max3A_268 : vector<16xf32>
        %bitcast_convert_type3A = tpu.bitcast %max3A_269 : vector<16xf32> -> vector<16xi32>
        %shift_right_logical3A = arith.constant 1 : i32
        %shift_right_logical3A_270 = vector.broadcast %shift_right_logical3A : i32 to vector<16xi32>
        %shift_right_logical3A_271 = arith.shrui %bitcast_convert_type3A, %shift_right_logical3A_270 : vector<16xi32>
        %sub3A = arith.constant 1597463007 : i32
        %sub3A_272 = vector.broadcast %sub3A : i32 to vector<16xi32>
        %sub3A_273 = arith.subi %sub3A_272, %shift_right_logical3A_271 : vector<16xi32>
        %bitcast_convert_type3A_274 = tpu.bitcast %sub3A_273 : vector<16xi32> -> vector<16xf32>
        %mul3A_275 = arith.constant 5.000000e-01 : f32
        %mul3A_276 = vector.broadcast %mul3A_275 : f32 to vector<16xf32>
        %mul3A_277 = arith.mulf %mul3A_276, %max3A_269 : vector<16xf32>
        %mul3A_278 = arith.mulf %mul3A_277, %bitcast_convert_type3A_274 : vector<16xf32>
        %mul3A_279 = arith.mulf %mul3A_278, %bitcast_convert_type3A_274 : vector<16xf32>
        %sub3A_280 = arith.constant 1.500000e+00 : f32
        %sub3A_281 = vector.broadcast %sub3A_280 : f32 to vector<16xf32>
        %sub3A_282 = arith.subf %sub3A_281, %mul3A_279 : vector<16xf32>
        %mul3A_283 = arith.mulf %bitcast_convert_type3A_274, %sub3A_282 : vector<16xf32>
        %mul3A_284 = arith.mulf %mul3A_277, %mul3A_283 : vector<16xf32>
        %mul3A_285 = arith.mulf %mul3A_284, %mul3A_283 : vector<16xf32>
        %sub3A_286 = arith.constant 1.500000e+00 : f32
        %sub3A_287 = vector.broadcast %sub3A_286 : f32 to vector<16xf32>
        %sub3A_288 = arith.subf %sub3A_287, %mul3A_285 : vector<16xf32>
        %mul3A_289 = arith.mulf %mul3A_283, %sub3A_288 : vector<16xf32>
        %mul3A_290 = arith.mulf %mul3A_277, %mul3A_289 : vector<16xf32>
        %mul3A_291 = arith.mulf %mul3A_290, %mul3A_289 : vector<16xf32>
        %sub3A_292 = arith.constant 1.500000e+00 : f32
        %sub3A_293 = vector.broadcast %sub3A_292 : f32 to vector<16xf32>
        %sub3A_294 = arith.subf %sub3A_293, %mul3A_291 : vector<16xf32>
        %mul3A_295 = arith.mulf %mul3A_289, %sub3A_294 : vector<16xf32>
        %mul3A_296 = arith.mulf %max3A_269, %mul3A_295 : vector<16xf32>
        %neg3A = arith.constant 0.000000e+00 : f32
        %neg3A_297 = vector.broadcast %neg3A : f32 to vector<16xf32>
        %neg3A_298 = arith.subf %neg3A_297, %mul3A_296 : vector<16xf32>
        %mul3A_299 = arith.constant 64 : i32
        %mul3A_300 = arith.muli %scan3A_202, %mul3A_299 : i32
        %mul3A_301 = arith.constant 16 : i32
        %mul3A_302 = arith.muli %scan3A_255, %mul3A_301 : i32
        %add3A_303 = arith.addi %mul3A_300, %mul3A_302 : i32
        %swap3A = arith.index_cast %add3A_303 : i32 to index
        %swap3A_304 = tpu.vector_load %arg10[%swap3A] {strides = array<i32>} : memref<512xf32, #tpu.memory_space<vmem>>, vector<16xf32>,
        tpu.vector_store %arg10[%swap3A], %neg3A_298 {strides = array<i32>} : memref<512xf32, #tpu.memory_space<vmem>>, vector<16xf32>,
        %scan3A_305 = arith.constant 0 : i32
        scf.yield %scan3A_305 : i32
      }
      %scan3A_248 = arith.constant 4 : i32
      %add3A_249 = arith.constant 2 : i32
      %add3A_250 = arith.addi %scan3A_202, %add3A_249 : i32
      %lt3A_251 = arith.constant 8 : i32
      %lt3A_252 = arith.cmpi slt, %add3A_250, %lt3A_251 : i32
      %convert_element_type3A = arith.extui %lt3A_252 : i1 to i32
      %cond3A = arith.constant 0 : i32
      %cond3A_253 = arith.cmpi ne, %convert_element_type3A, %cond3A : i32
      scf.if %cond3A_253 {
        %add3A_255 = arith.constant 2 : i32
        %add3A_256 = arith.addi %scan3A_202, %add3A_255 : i32
        %mul3A_257 = arith.constant 64 : i32
        %mul3A_258 = arith.muli %add3A_256, %mul3A_257 : i32
        %add3A_259 = arith.addi %mul3A_2, %mul3A_258 : i32
        %dma_start3A_260 = arith.constant 0 : i32
        %dma_start3A_261 = arith.constant 0 : i32
        %dma_start3A_262 = tpu.memref_slice %arg9[%select_n3A_212, %dma_start3A_260, %dma_start3A_261] : memref<2x64x128xf32, #tpu.memory_space<vmem>> -> memref<1x64x128xf32, #tpu.memory_space<vmem>>
        %dma_start3A_263 = tpu.memref_squeeze %dma_start3A_262 : memref<1x64x128xf32, #tpu.memory_space<vmem>> -> memref<64x128xf32, #tpu.memory_space<vmem>>
        %dma_start3A_264 = arith.constant 0 : i32
        %dma_start3A_265 = tpu.memref_slice %arg4[%add3A_259, %dma_start3A_264] : memref<16384x128xf32, #tpu.memory_space<hbm>> -> memref<64x128xf32, #tpu.memory_space<hbm>>
        %dma_start3A_266 = tpu.memref_slice %arg12[%select_n3A_212] : memref<2x!tpu.dma_semaphore, #tpu.memory_space<semaphore_mem>> -> memref<1x!tpu.dma_semaphore, #tpu.memory_space<semaphore_mem>>
        %dma_start3A_267 = tpu.memref_squeeze %dma_start3A_266 : memref<1x!tpu.dma_semaphore, #tpu.memory_space<semaphore_mem>> -> memref<!tpu.dma_semaphore, #tpu.memory_space<semaphore_mem>>
        %dma_start3A_268 = arith.constant 0 : i32
        %dma_start3A_269 = arith.constant 0 : i32
        %dma_start3A_270 = tpu.memref_slice %arg9[%select_n3A_212, %dma_start3A_268, %dma_start3A_269] : memref<2x64x128xf32, #tpu.memory_space<vmem>> -> memref<1x64x128xf32, #tpu.memory_space<vmem>>
        %dma_start3A_271 = tpu.memref_squeeze %dma_start3A_270 : memref<1x64x128xf32, #tpu.memory_space<vmem>> -> memref<64x128xf32, #tpu.memory_space<vmem>>
        %dma_start3A_272 = arith.constant 0 : i32
        %dma_start3A_273 = tpu.memref_slice %arg4[%add3A_259, %dma_start3A_272] : memref<16384x128xf32, #tpu.memory_space<hbm>> -> memref<64x128xf32, #tpu.memory_space<hbm>>
        tpu.enqueue_dma source(%dma_start3A_273 : memref<64x128xf32, #tpu.memory_space<hbm>>) target(%dma_start3A_271 : memref<64x128xf32, #tpu.memory_space<vmem>>) target_semaphore(%dma_start3A_267 : memref<!tpu.dma_semaphore, #tpu.memory_space<semaphore_mem>>)
      } else {
      }
      %scan3A_254 = arith.constant 0 : i32
      scf.yield %scan3A_254 : i32
    }
    %scan3A_197 = arith.constant 8 : i32
    %dma_start3A_198 = tpu.memref_slice %arg6[%mul3A_2] : memref<16384xf32, #tpu.memory_space<hbm>> -> memref<512xf32, #tpu.memory_space<hbm>>
    %dma_start3A_199 = tpu.memref_slice %arg6[%mul3A_2] : memref<16384xf32, #tpu.memory_space<hbm>> -> memref<512xf32, #tpu.memory_space<hbm>>
    tpu.enqueue_dma source(%arg10 : memref<512xf32, #tpu.memory_space<vmem>>) target(%dma_start3A_199 : memref<512xf32, #tpu.memory_space<hbm>>) target_semaphore(%arg14 : memref<!tpu.dma_semaphore, #tpu.memory_space<semaphore_mem>>)
    %dma_wait3A_200 = tpu.memref_slice %arg6[%mul3A_2] : memref<16384xf32, #tpu.memory_space<hbm>> -> memref<512xf32, #tpu.memory_space<hbm>>
    %dma_wait3A_201 = tpu.memref_slice %arg6[%mul3A_2] : memref<16384xf32, #tpu.memory_space<hbm>> -> memref<512xf32, #tpu.memory_space<hbm>>
    tpu.wait_dma2 semaphore(%arg14 : memref<!tpu.dma_semaphore, #tpu.memory_space<semaphore_mem>>) src(%arg10 : memref<512xf32, #tpu.memory_space<vmem>>) dst(%dma_wait3A_201 : memref<512xf32, #tpu.memory_space<hbm>>)
    return
  }
}

</mosaic_0001>

<sc_bundles>
// kernel: kernel.3.cloned.1.call-start
scs
__scs_entry_jumppad:
0x0: {  	(pc) =	sbr.rel $0x88, $3  }
0x1: {  	(tag) =	ssettag $0x0;
	lr =	simm.s32 $0x1  }
0x2: {  	[smem:$0x3F9D] =	sst lr;
	_ =	strace $0xD0000000  }
0x3: {  	_ = 	snop  }
0x4: {  	_ = 	snop  }
0x5: {  	_ = 	snop  }
0x6: {  	_ = 	snop  }
0x7: {  	_ = 	snop  }
__scs_overlays_trampoline_lowered:
0x8: {  	[smem:$0x3FAC] =	sst s0  }
0x9: {  	[smem:$0x3FAD] =	sst s1  }
0xa: {  	[smem:$0x3FAE] =	sst s2  }
0xb: {  	[smem:$0x3FAF] =	sst s3  }
0xc: {  	[smem:$0x3FB0] =	sst s4  }
0xd: {  	[smem:$0x3FB1] =	sst s5  }
0xe: {  	[smem:$0x3FB2] =	sst s6  }
0xf: {  	[smem:$0x3FB3] =	sst s7  }
0x10: {  	[smem:$0x3FB4] =	sst s8  }
0x11: {  	[smem:$0x3FB5] =	sst s9;
	s0 =	simm.s32 @!p0 $0x0  }
0x12: {  	s1 =	sld [smem:$0x3F9B];
	s0 =	simm.s32 @p0 $0x1  }
0x13: {  	[smem:$0x3FB6] =	sst s0;
	s0 =	simm.s32 @!p1 $0x0  }
0x14: {  	s2 =	sld [smem:$0x3F9A];
	s0 =	simm.s32 @p1 $0x1  }
0x15: {  	[smem:$0x3FB7] =	sst s0;
	s0 =	simm.s32 @!p2 $0x0  }
0x16: {  	s3 =	sld [smem:$0x3FDB];
	s0 =	simm.s32 @p2 $0x1  }
0x17: {  	s4 =	simm.s32 $0x1BF5;
	[smem:$0x3FB9] =	sst s0  }
0x18: {  	s0 =	sld [smem:$0x3F9C];
	_ =	swait.ge [sflag:s4], $0x0  }
0x19: {  	s7 =	sld [smem:$0x3F9D]  }
0x1a: {  	s8 =	sadd.s32 $0xFFFFE003, lr  }
0x1b: {  	s9 =	sadd.s32 $0xFFFFFEF7, lr;
	s5 =	simm.s32 $0xFFFFFFFF;
	p2 =	slt.u32 s8, $0xFFFFF086  }
0x1c: {  	p1 =	slt.u32 s9, $0xF7A;
	s5 =	simm.s32 @!p2 $0x0  }
0x1d: {  	s5 =	simm.s32 @p1 $0x1;
	p0 =	seq.s32 s7, s2  }
0x1e: {  	s7 =	smul.u32 @!p0 $0xF7A, s2;
	p2 =	seq.s32 @!p0 s5, $0x0  }
0x1f: {  	s9 =	smul.u32 $0xF7A, s1;
	s8 =	simm.s32 @!p0 $0x1BF5;
	p2 =	por !p2, p0  }
0x20: {  	[sflag:s8] =	ssyncset.s32 @!p0 $0xFFFFF086;
	s6 =	sadd.s32 @!p0 s3, s7;
	s7 =	simm.s32 @!p0 $0x108  }
0x21: {  	s3 =	sadd.s32 s3, s9;
	s6 =	sadd.s32 @!p0 $0x88, s6;
	s7 =	simm.s32 @p2 $0x1082  }
0x22: {  	[simem:s7], [sflag:s8] =	dma.local @!p0 [hbm:s6], $0xF7A  }
0x23: {  	s9 =	sor.u32 $0xD0000000, s2;
	s6 =	simm.s32 $0x108;
	_ =	swait.ge @!p0 [sflag:s8], $0x0  }
0x24: {  	s3 =	sadd.s32 $0x88, s3;
	s6 =	simm.s32 @!p1 $0x1082;
	[sflag:s4] =	ssyncset.s32 $0xFFFFF086  }
0x25: {  	[simem:s6], [sflag:s4] =	dma.local [hbm:s3], $0xF7A  }
0x26: {  	[smem:$0x3F9D] =	sst s1;
	(tag) =	ssettag s2;
	_ =	strace s9  }
0x27: {  	s1 =	sld [smem:$0x3FAD]  }
0x28: {  	s2 =	sld [smem:$0x3FAE]  }
0x29: {  	s4 =	sld [smem:$0x3FB0]  }
0x2a: {  	p0 =	seq.s32 s5, $0x0;
	s5 =	sld [smem:$0x3FB1]  }
0x2b: {  	s6 =	sld [smem:$0x3FB2]  }
0x2c: {  	s7 =	sld [smem:$0x3FB3]  }
0x2d: {  	s3 =	simm.s32 $0x108;
	s8 =	sld [smem:$0x3FB4]  }
0x2e: {  	s3 =	simm.s32 @!p0 $0x1082;
	s9 =	sld [smem:$0x3FB5]  }
0x2f: {  	lr =	sadd.s32 s0, s3;
	s0 =	sld [smem:$0x3FAC]  }
0x30: {  	s3 =	sld [smem:$0x3FAF]  }
0x31: {  	[smem:$0x3FB8] =	sst s10  }
0x32: {  	s10 =	sld [smem:$0x3FB6];
	_ =	sdelay $0x3  }
0x33: {  	p0 =	seq.s32 s10, $0x1;
	s10 =	sld [smem:$0x3FB8];
	_ =	sdelay $0x3  }
0x34: {  	[smem:$0x3FB8] =	sst s10  }
0x35: {  	s10 =	sld [smem:$0x3FB7];
	_ =	sdelay $0x3  }
0x36: {  	p1 =	seq.s32 s10, $0x1;
	s10 =	sld [smem:$0x3FB8];
	_ =	sdelay $0x3  }
0x37: {  	[smem:$0x3FB8] =	sst s10  }
0x38: {  	s10 =	sld [smem:$0x3FB9]  }
0x39: {  	_ = 	snop;
	(pc) =	sbr.ind lr, $3  }
0x3a: {  	_ = 	snop  }
0x3b: {  	_ = 	snop  }
0x3c: {  	p2 =	seq.s32 s10, $0x1;
	s10 =	sld [smem:$0x3FB8]  }
0x3d: {  	_ =	shalt  }
0x3e: {  	_ =	shalt  }
0x3f: {  	_ =	shalt  }
0x40: {  	_ =	shalt  }
0x41: {  	_ =	shalt  }
0x42: {  	_ =	shalt  }
0x43: {  	_ =	shalt  }
0x44: {  	_ =	shalt  }
0x45: {  	_ =	shalt  }
0x46: {  	_ =	shalt  }
0x47: {  	_ =	shalt  }
0x48: {  	_ =	shalt  }
0x49: {  	_ =	shalt  }
0x4a: {  	_ =	shalt  }
0x4b: {  	_ =	shalt  }
0x4c: {  	_ =	shalt  }
0x4d: {  	_ =	shalt  }
0x4e: {  	_ =	shalt  }
0x4f: {  	_ =	shalt  }
0x50: {  	_ =	shalt  }
0x51: {  	_ =	shalt  }
0x52: {  	_ =	shalt  }
0x53: {  	_ =	shalt  }
0x54: {  	_ =	shalt  }
0x55: {  	_ =	shalt  }
0x56: {  	_ =	shalt  }
0x57: {  	_ =	shalt  }
0x58: {  	_ =	shalt  }
0x59: {  	_ =	shalt  }
0x5a: {  	_ =	shalt  }
0x5b: {  	_ =	shalt  }
0x5c: {  	_ =	shalt  }
0x5d: {  	_ =	shalt  }
0x5e: {  	_ =	shalt  }
0x5f: {  	_ =	shalt  }
0x60: {  	_ =	shalt  }
0x61: {  	_ =	shalt  }
0x62: {  	_ =	shalt  }
0x63: {  	_ =	shalt  }
0x64: {  	_ =	shalt  }
0x65: {  	_ =	shalt  }
0x66: {  	_ =	shalt  }
0x67: {  	_ =	shalt  }
0x68: {  	_ =	shalt  }
0x69: {  	_ =	shalt  }
0x6a: {  	_ =	shalt  }
0x6b: {  	_ =	shalt  }
0x6c: {  	_ =	shalt  }
0x6d: {  	_ =	shalt  }
0x6e: {  	_ =	shalt  }
0x6f: {  	_ =	shalt  }
0x70: {  	_ =	shalt  }
0x71: {  	_ =	shalt  }
0x72: {  	_ =	shalt  }
0x73: {  	_ =	shalt  }
0x74: {  	_ =	shalt  }
0x75: {  	_ =	shalt  }
0x76: {  	_ =	shalt  }
0x77: {  	_ =	shalt  }
0x78: {  	_ =	shalt  }
0x79: {  	_ =	shalt  }
0x7a: {  	_ =	shalt  }
0x7b: {  	_ =	shalt  }
0x7c: {  	_ =	shalt  }
0x7d: {  	_ =	shalt  }
0x7e: {  	_ =	shalt  }
0x7f: {  	_ =	shalt  }
0x80: {  	_ =	shalt  }
0x81: {  	_ =	shalt  }
0x82: {  	_ =	shalt  }
0x83: {  	_ =	shalt  }
0x84: {  	_ =	shalt  }
0x85: {  	_ =	shalt  }
0x86: {  	_ =	shalt  }
0x87: {  	_ =	shalt  }
.Lfunc_end0:
.L_simem_size_0:
called_computation_lowered:
.L_overlay_start_0:
0x88: {  	s2 =	sld [smem:$0x3FD9]  }
0x89: {  	s3 =	sld [smem:$0x3FFE];
	_ =	sdelay $0x1  }
0x8a: {  	s1 =	srdreg.scid  }
0x8b: {  	s0 =	sand.u32 $0x1, s1  }
0x8c: {  	s18 =	sshll.u32 s0, $0xA;
	s2 =	sadd.s32 s3, s2  }
0x8d: {  	s2 =	sadd.s32 s2, s18  }
0x8e: {  	[smem:$0x3FC4] =	sst s2  }
0x8f: {  	_ = 	snop  }
0x90: {  	s2 =	sld [smem:$0x3FC9]  }
0x91: {  	s19 =	sld [smem:$0x3FC8]  }
0x92: {  	s4 =	sld [smem:$0x3FC7]  }
0x93: {  	s5 =	sld [smem:$0x3FC6]  }
0x94: {  	s6 =	sld [smem:$0x3FD0];
	(tm) =	ssettm $0x1  }
0x95: {  	s7 =	sld [smem:$0x3FFB];
	_ =	sdelay $0x3  }
0x96: {  	_ =	strace s7  }
0x97: {  	s7 =	sld [smem:$0x3FFC];
	_ =	sdelay $0x3  }
0x98: {  	_ =	strace s7  }
0x99: {  	s7 =	sld [smem:$0x3FFD];
	_ =	sdelay $0x3  }
0x9a: {  	_ =	strace s7  }
0x9b: {  	_ =	strace $0x8FFFFFFF  }
0x9c: {  	s20 =	sld [smem:$0x3FDB];
	_ =	sdelay $0x1  }
0x9d: {  	s8 =	simm.s32 $_scs_section_size  }
0x9e: {  	s9 =	simm.s32 $_size__tile_overlayer_lowered;
	s10 =	simm.s32 $_tile_overlayer_lowered  }
0x9f: {  	s23 =	simm.s32 $0x1BFF;
	s22 =	sshll.u32 s10, $0x1;
	s7 =	sadd.s32 s8, s20  }
0xa0: {  	s11 =	simm.s32 $0x0;
	s21 =	sshll.u32 s9, $0x1;
	s9 =	sadd.s32 s22, s7  }
0xa1: {  	[timem:s11], [sflag:s23] =	dma.local [hbm:s9], s21  }
0xa2: {  	_ =	swait.ge [sflag:s23], s21  }
0xa3: {  	s8 =	ssub.s32 $0x0, s21;
	[sflag:s23] =	ssyncset.done $0x0  }
0xa4: {  	[sflag:s23] =	ssyncadd.s32 s8;
	_ =	sdelay $0x1  }
0xa5: {  	s24 =	simm.s32 $0x1B8B  }
0xa6: {  	_ =	swait.ge [sflag:s24], $0x1  }
0xa7: {  	[sflag:s24] =	ssyncset.done $0x0  }
0xa8: {  	s25 =	simm.s32 $0x1B8E;
	[sflag:s24] =	ssyncadd.s32 $0xFFFFFFFF  }
0xa9: {  	s26 =	simm.s32 $execute0_lowered;
	[smem:$0x3FD2] =	sst s25  }
0xaa: {  	s8 =	sshll.u32 s26, $0x1;
	_ =	strace $0x80000046;
	[dreg:$0x1] =	wrdreg $0xFFFFFFFF  }
0xab: {  	s28 =	simm.s32 $_size_execute0_lowered;
	s7 =	sadd.s32 s7, s8;
	[dreg:$0x0] =	wrdreg $0x0  }
0xac: {  	s8 =	sshll.u32 s28, $0x1;
	[dreg:$0x2] =	wrdreg s7  }
0xad: {  	[dreg:$0x3] =	wrdreg s8  }
0xae: {  	[dreg:$0x4] =	wrdreg $0xC0  }
0xaf: {  	_ =	task [dreg:s11], $0x5FFFF  }
0xb0: {  	[dreg:$0x1] =	wrdreg $0xFFFFFFFF  }
0xb1: {  	[dreg:$0x0] =	wrdreg $0x60  }
0xb2: {  	[dreg:$0x2] =	wrdreg s2  }
0xb3: {  	[dreg:$0x3] =	wrdreg s19  }
0xb4: {  	[dreg:$0x4] =	wrdreg s4  }
0xb5: {  	[dreg:$0x5] =	wrdreg s5  }
0xb6: {  	[dreg:$0x6] =	wrdreg s6  }
0xb7: {  	[dreg:$0x7] =	wrdreg $0x9  }
0xb8: {  	_ =	task.clear_ibuf [dreg:s11], $0x8FFFF;
	_ =	strace $0x90000046  }
0xb9: {  	s29 =	simm.s32 $0x9;
	_ =	strace $0x80000048  }
0xba: {  	_ =	swait.ge [sflag:s29], $0x1  }
0xbb: {  	[sflag:s29] =	ssyncadd.s32 $0xFFFFFFFF  }
0xbc: {  	_ =	strace $0x90000048  }
0xbd: {  	_ =	sfence  }
0xbe: {  	s30 =	sld [smem:$0x0];
	_ =	sdelay $0x2  }
0xbf: {  	s31 =	sshll.u32 s1, $0xD;
	s1 =	sshrl.u32 s1, $0x2  }
0xc0: {  	s3 =	sand.u32 $0x4000, s31;
	s1 =	sadd.s32 s1, s30  }
0xc1: {  	s0 =	sor.u32 s3, s0;
	s1 =	sshll.u32 s1, $0x11  }
0xc2: {  	s0 =	sor.u32 s1, s0  }
0xc3: {  	s0 =	sadd.s32 $0x8F2B, s0  }
0xc4: {  	[sflag:s0] =	ssyncadd.remote.s32 $0x1  }
0xc5: {  	_ =	sfence.sel $0xFFFF  }
0xc6: {  	[dreg:$0x0] =	wrdreg $0xFFFFFFFF;
	(pc) =	sbr.abs _section_cstart, $3  }
0xc7: {  	[dreg:$0x1] =	wrdreg $0xFFFFFFFF  }
0xc8: {  	_ =	task.clear_ibuf [dreg:s11], $0x2FFFF;
	_ =	strace $0x9FFFFFFF  }
0xc9: {  	(tm) =	ssettm $0x7FFFFFFF  }
tec
execute0_lowered:
.L_overlay_start_1:
0x0: {  	(tag) =	ssettag $0x1  }
0x1: {  	s0 =	rddreg [dreg:$0x0]  }
0x2: {  	s2 =	rddreg [dreg:$0x1]  }
0x3: {  	s5 =	rddreg [dreg:$0x2]  }
0x4: {  	s1 =	rddreg [dreg:$0x3]  }
0x5: {  	s6 =	rddreg [dreg:$0x4];
	s4 =	srdreg.scid  }
0x6: {  	s3 =	simm.s32 $0x0;
	s8 =	stileid.u32;
	s29 =	simm.s32 $0xB  }
0x7: {  	s30 =	simm.s32 $0x1;
	s31 =	simm.s32 $0x40;
	s4 =	sand.u32 $0x1, s4  }
0x8: {  	s8 =	sshll.u32 s8, $0xA;
	s7 =	ssub.s32 $0x2, s4;
	s4 =	sshll.u32 s4, $0x9  }
0x9: {  	s28 =	simm.s32 $0x4;
	[smem:$0x7FF] =	sst s3;
	s4 =	sor.u32 s4, s8  }
0xa: {  	_ =	strace $0x80000047;
	s9 =	sshrl.u32 s7, $0x1;
	s17 =	sshrl.u32 s4, $0x3  }
0xb: {  	s7 =	ssub.s32 s7, s9;
	s8 =	sshll.u32 s4, $0x4;
	s2 =	sadd.s32 s2, s17  }
0xc: {  	s9 =	simm.s32 $0x0;
	s25 =	sadd.s32 s6, s17;
	[dreg:$0x6] =	wrdreg s2  }
0xd: {  	s10 =	sor.u32 $0x400, s8;
	s26 =	smax.u32 s7, $0x1;
	[dreg:$0xf] =	wrdreg s25  }
0xe: {  	s4 =	sadd.s32 s0, s8;
	s0 =	sadd.s32 s0, s10;
	[dreg:$0x10] =	wrdreg s26  }
0xf: {  	s13 =	sadd.s32 s5, s8;
	s18 =	sadd.s32 $0x800, s4;
	[dreg:$0x7] =	wrdreg s0  }
0x10: {  	s6 =	simm.s32 $0x7;
	s19 =	sadd.s32 $0xC00, s4;
	[dreg:$0x8] =	wrdreg s18  }
0x11: {  	s7 =	simm.s32 $0x8;
	s20 =	sadd.s32 $0x1000, s4;
	[dreg:$0x9] =	wrdreg s19  }
0x12: {  	s8 =	simm.s32 $0xC;
	s21 =	sadd.s32 $0x1400, s4;
	[dreg:$0xa] =	wrdreg s20  }
0x13: {  	s22 =	sadd.s32 $0x1800, s4;
	s23 =	sadd.s32 $0x1C00, s4;
	[dreg:$0xb] =	wrdreg s21  }
0x14: {  	s24 =	sadd.s32 s5, s10;
	s15 =	sadd.s32 $0x800, s13;
	[dreg:$0xc] =	wrdreg s22  }
0x15: {  	s25 =	simm.s32 $0xE200;
	s2 =	simm.s32 $0x3;
	[dreg:$0xd] =	wrdreg s23  }
0x16: {  	v0 =	vlaneseq.u32;
	s26 =	simm.s32 $0x5;
	s5 =	simm.s32 $0x6;
	[dreg:$0xe] =	wrdreg s24  }
0x17: {  	v1 =	vmul.u32 $0x80, v0;
	s23 =	simm.s32 $0xA200;
	s24 =	simm.s32 $0xC200;
	s0 =	simm.s32 $0x2  }
.LBB2_1:
0x18: {  	s10 =	rddreg [dreg:$0x6]  }
0x19: {  	[tilespmem:s3], [sflag:$0xB] =	stream.linear.gather [hbm4b:s10+s3], $0x200, $0x38;
	[tilespmem:$0x14400] =	vst v63  }
0x1a: {  	s11 =	simm.s32 $0x200  }
0x1b: {  	[tilespmem:s11], [sflag:$0x1] =	stream.linear.gather [hbm4b:s4+s3], $0x2000, $0x38;
	[tilespmem:$0x14400] =	vst v63  }
0x1c: {  	s19 =	rddreg [dreg:$0x7];
	s12 =	simm.s32 $0x2200  }
0x1d: {  	[tilespmem:s12], [sflag:$0x2] =	stream.linear.gather [hbm4b:s19+s3], $0x2000, $0x38;
	[tilespmem:$0x14400] =	vst v63  }
0x1e: {  	s20 =	rddreg [dreg:$0x8];
	s14 =	simm.s32 $0x4200  }
0x1f: {  	[tilespmem:s14], [sflag:$0x3] =	stream.linear.gather [hbm4b:s20+s3], $0x2000, $0x38;
	[tilespmem:$0x14400] =	vst v63  }
0x20: {  	s21 =	rddreg [dreg:$0x9];
	s16 =	simm.s32 $0x6200  }
0x21: {  	[tilespmem:s16], [sflag:$0x4] =	stream.linear.gather [hbm4b:s21+s3], $0x2000, $0x38;
	[tilespmem:$0x14400] =	vst v63  }
0x22: {  	s22 =	rddreg [dreg:$0xa];
	s17 =	simm.s32 $0x8200  }
0x23: {  	[tilespmem:s17], [sflag:$0x5] =	stream.linear.gather [hbm4b:s22+s3], $0x2000, $0x38;
	[tilespmem:$0x14400] =	vst v63  }
0x24: {  	s18 =	rddreg [dreg:$0xb]  }
0x25: {  	[tilespmem:s23], [sflag:$0x6] =	stream.linear.gather [hbm4b:s18+s3], $0x2000, $0x38;
	[tilespmem:$0x14400] =	vst v63  }
0x26: {  	s19 =	rddreg [dreg:$0xc]  }
0x27: {  	[tilespmem:s24], [sflag:$0x7] =	stream.linear.gather [hbm4b:s19+s3], $0x2000, $0x38;
	[tilespmem:$0x14400] =	vst v63  }
0x28: {  	s20 =	rddreg [dreg:$0xd]  }
0x29: {  	[tilespmem:s25], [sflag:$0x8] =	stream.linear.gather [hbm4b:s20+s3], $0x2000, $0x38;
	[tilespmem:$0x14400] =	vst v63  }
0x2a: {  	s21 =	simm.s32 $0x10200  }
0x2b: {  	[tilespmem:s21], [sflag:$0x9] =	stream.linear.gather [hbm4b:s13+s3], $0x2000, $0x38;
	[tilespmem:$0x14400] =	vst v63  }
0x2c: {  	s22 =	rddreg [dreg:$0xe];
	s18 =	simm.s32 $0x12200  }
0x2d: {  	[tilespmem:s18], [sflag:$0xA] =	stream.linear.gather [hbm4b:s22+s3], $0x2000, $0x38;
	[tilespmem:$0x14400] =	vst v63  }
0x2e: {  	_ =	swait.ge [sflag:s29], $0x200  }
0x2f: {  	[sflag:s29] =	ssyncset.done $0x0  }
0x30: {  	[sflag:s29] =	ssyncadd.s32 $0xFFFFFE00  }
0x31: {  	_ =	swait.ge [sflag:s30], $0x2000  }
0x32: {  	[sflag:s30] =	ssyncset.done $0x0  }
0x33: {  	[sflag:s30] =	ssyncadd.s32 $0xFFFFE000  }
0x34: {  	[tilespmem:s11], [sflag:$0x1] =	stream.indirect.gather.add.f32 [hbm:s1], $0x80, s3, s31, $0xb8;
	[tilespmem:$0x14400] =	vst v63  }
0x35: {  	_ =	swait.ge [sflag:s0], $0x2000  }
0x36: {  	[sflag:s0] =	ssyncset.done $0x0  }
0x37: {  	[sflag:s0] =	ssyncadd.s32 $0xFFFFE000  }
0x38: {  	[tilespmem:s12], [sflag:$0x2] =	stream.indirect.gather.add.f32 [hbm:s1], $0x80, s31, s31, $0xb8;
	[tilespmem:$0x14400] =	vst v63  }
0x39: {  	_ =	swait.ge [sflag:s2], $0x2000  }
0x3a: {  	[sflag:s2] =	ssyncset.done $0x0  }
0x3b: {  	s12 =	simm.s32 $0x80;
	[sflag:s2] =	ssyncadd.s32 $0xFFFFE000  }
0x3c: {  	[tilespmem:s14], [sflag:$0x3] =	stream.indirect.gather.add.f32 [hbm:s1], $0x80, s12, s31, $0xb8;
	[tilespmem:$0x14400] =	vst v63  }
0x3d: {  	_ =	swait.ge [sflag:s28], $0x2000  }
0x3e: {  	[sflag:s28] =	ssyncset.done $0x0  }
0x3f: {  	s18 =	simm.s32 $0xC0;
	[sflag:s28] =	ssyncadd.s32 $0xFFFFE000  }
0x40: {  	[tilespmem:s16], [sflag:$0x4] =	stream.indirect.gather.add.f32 [hbm:s1], $0x80, s18, s31, $0xb8;
	[tilespmem:$0x14400] =	vst v63  }
0x41: {  	_ =	swait.ge [sflag:s26], $0x2000  }
0x42: {  	[sflag:s26] =	ssyncset.done $0x0  }
0x43: {  	s19 =	simm.s32 $0x100;
	[sflag:s26] =	ssyncadd.s32 $0xFFFFE000  }
0x44: {  	[tilespmem:s17], [sflag:$0x5] =	stream.indirect.gather.add.f32 [hbm:s1], $0x80, s19, s31, $0xb8;
	[tilespmem:$0x14400] =	vst v63  }
0x45: {  	_ =	swait.ge [sflag:s5], $0x2000  }
0x46: {  	[sflag:s5] =	ssyncset.done $0x0  }
0x47: {  	s20 =	simm.s32 $0x140;
	[sflag:s5] =	ssyncadd.s32 $0xFFFFE000  }
0x48: {  	[tilespmem:s23], [sflag:$0x6] =	stream.indirect.gather.add.f32 [hbm:s1], $0x80, s20, s31, $0xb8;
	[tilespmem:$0x14400] =	vst v63  }
0x49: {  	_ =	swait.ge [sflag:s6], $0x2000  }
0x4a: {  	[sflag:s6] =	ssyncset.done $0x0  }
0x4b: {  	s21 =	simm.s32 $0x180;
	[sflag:s6] =	ssyncadd.s32 $0xFFFFE000  }
0x4c: {  	[tilespmem:s24], [sflag:$0x7] =	stream.indirect.gather.add.f32 [hbm:s1], $0x80, s21, s31, $0xb8;
	[tilespmem:$0x14400] =	vst v63  }
0x4d: {  	_ =	swait.ge [sflag:s7], $0x2000  }
0x4e: {  	[sflag:s7] =	ssyncset.done $0x0  }
0x4f: {  	s10 =	simm.s32 $0x0;
	s22 =	simm.s32 $0x1C0;
	[sflag:s7] =	ssyncadd.s32 $0xFFFFE000  }
0x50: {  	[tilespmem:s25], [sflag:$0x8] =	stream.indirect.gather.add.f32 [hbm:s1], $0x80, s22, s31, $0xb8;
	[tilespmem:$0x14400] =	vst v63  }
.LBB2_2:
0x51: {  	s12 =	sand.u32 $0x1, s10  }
0x52: {  	s11 =	sadd.s32 $0x9, s12  }
0x53: {  	s22 =	sshll.u32 s10, $0x6;
	_ =	swait.ge [sflag:s11], $0x2000  }
0x54: {  	s16 =	sshll.u32 s10, $0xD;
	s14 =	sshll.u32 s12, $0xD;
	[sflag:s11] =	ssyncset.done $0x0  }
0x55: {  	s12 =	sadd.s32 $0x1, s10;
	s16 =	sand.u32 $0x3FFFE000, s16;
	[sflag:s11] =	ssyncadd.s32 $0xFFFFE000  }
0x56: {  	s18 =	sor.u32 $0x10200, s14;
	s14 =	sand.u32 $0x3FFFFFC0, s22;
	_ =	swait.ge [sflag:s12], $0x2000  }
0x57: {  	s19 =	sor.u32 $0x200, s16;
	s20 =	sadd.s32 $0x14200, s14;
	[sflag:s12] =	ssyncset.done $0x0  }
0x58: {  	s14 =	simm.s32 $0x0;
	v2 =	vmov s20;
	s20 =	simm.s32 $0x0;
	[sflag:s12] =	ssyncadd.s32 $0xFFFFE000  }
.LBB2_3:
0x59: {  	s21 =	sshll.u32 s20, $0x4  }
0x5a: {  	v3 =	vmov s21  }
0x5b: {  	v4 =	vadd.s32 s14, v0;
	v3 =	vshll.u32 v3, $0x7  }
0x5c: {  	s16 =	simm.s32 $0x1;
	v4 =	vand.u32 $0x7F, v4;
	v3 =	vor.u32 v1, v3  }
0x5d: {  	v5 =	vadd.s32 s16, v0;
	v4 =	vor.u32 v3, v4  }
0x5e: {  	s22 =	simm.s32 $0x2;
	v5 =	vand.u32 $0x7F, v5  }
0x5f: {  	s17 =	simm.s32 $0x3;
	v6 =	vadd.s32 s22, v0;
	v5 =	vor.u32 v3, v5  }
0x60: {  	v7 =	vadd.s32 s17, v0;
	v6 =	vand.u32 $0x7F, v6  }
0x61: {  	v7 =	vand.u32 $0x7F, v7;
	v6 =	vor.u32 v3, v6  }
0x62: {  	s22 =	simm.s32 $0x4;
	v11 =	vor.u32 v3, v7;
	v9 =	vld.idx.msk [tilespmem:v4+s19+$0x0], $0xffff  }
0x63: {  	v8 =	vadd.s32 s22, v0;
	v12 =	vld.idx.msk [tilespmem:v4+s18+$0x0], $0xffff  }
0x64: {  	s17 =	simm.s32 $0x5;
	v4 =	vand.u32 $0x7F, v8;
	v16 =	vld.idx.msk [tilespmem:v5+s19+$0x0], $0xffff  }
0x65: {  	v7 =	vadd.s32 s17, v0;
	v5 =	vld.idx.msk [tilespmem:v5+s18+$0x0], $0xffff;
	v14 =	vor.u32 v3, v4  }
0x66: {  	s22 =	simm.s32 $0x6;
	v7 =	vand.u32 $0x7F, v7;
	v10 =	vld.idx.msk [tilespmem:v6+s18+$0x0], $0xffff  }
0x67: {  	s16 =	simm.s32 $0x8;
	v7 =	vor.u32 v3, v7;
	v8 =	vadd.s32 s22, v0;
	v13 =	vld.idx.msk [tilespmem:v11+s18+$0x0], $0xffff  }
0x68: {  	v15 =	vimm.f32 $0.0e+00;
	v18 =	vadd.s32 s16, v0;
	s22 =	simm.s32 $0x7;
	v4 =	vld.idx.msk [tilespmem:v6+s19+$0x0], $0xffff;
	v6 =	vand.u32 $0x7F, v8  }
0x69: {  	s17 =	simm.s32 $0x9;
	v17 =	vadd.s32 s22, v0;
	v8 =	vld.idx.msk [tilespmem:v11+s19+$0x0], $0xffff;
	v6 =	vor.u32 v3, v6;
	v12 =	vsub.f32 v9, v12  }
0x6a: {  	v20 =	vadd.s32 s17, v0;
	v9 =	vand.u32 $0x7F, v17;
	v17 =	vand.u32 $0x7F, v18;
	v11 =	vld.idx.msk [tilespmem:v14+s19+$0x0], $0xffff  }
0x6b: {  	s17 =	simm.s32 $0xA;
	v19 =	vsub.f32 v16, v5;
	v9 =	vor.u32 v3, v9;
	v14 =	vld.idx.msk [tilespmem:v14+s18+$0x0], $0xffff;
	v18 =	vmul.f32 v12, v12  }
0x6c: {  	s22 =	simm.s32 $0xC;
	v16 =	vand.u32 $0x7F, v20;
	v5 =	vor.u32 v3, v17;
	v17 =	vadd.s32 s17, v0;
	v12 =	vld.idx.msk [tilespmem:v7+s19+$0x0], $0xffff  }
.LBB2_4:
0x6d: {  	p0 =	slt.u32 s22, $0x7C;
	s17 =	sadd.s32 $0x3, s16;
	v20 =	vld.idx.msk [tilespmem:v7+s18+$0x0], $0xffff;
	v15 =	vadd.f32 v18, v15;
	v18 =	vmul.f32 v19, v19;
	v19 =	vsub.f32 v4, v10;
	s16 =	smov.u32 s22  }
0x6e: {  	v7 =	vor.u32 v3, v16;
	v16 =	vand.u32 $0x7F, v17;
	v17 =	vadd.s32 s17, v0;
	v4 =	vld.idx.msk [tilespmem:v6+s19+$0x0], $0xffff  }
0x6f: {  	v10 =	vld.idx.msk [tilespmem:v6+s18+$0x0], $0xffff;
	v15 =	vadd.f32 v18, v15;
	v18 =	vmul.f32 v19, v19;
	v19 =	vsub.f32 v8, v13  }
.Ltmp0:
0x70: {  	v21 =	vadd.s32 s22, v0;
	v6 =	vor.u32 v3, v16;
	v16 =	vand.u32 $0x7F, v17;
	v8 =	vld.idx.msk [tilespmem:v9+s19+$0x0], $0xffff;
	(pc) =	sbr.rel @p0 .LBB2_4-.Ltmp0, $4  }
0x71: {  	s17 =	sadd.s32 $0x1, s22;
	v17 =	vsub.f32 v11, v14;
	v13 =	vld.idx.msk [tilespmem:v9+s18+$0x0], $0xffff;
	v15 =	vadd.f32 v18, v15;
	v22 =	vmul.f32 v19, v19  }
0x72: {  	v21 =	vand.u32 $0x7F, v21;
	v23 =	vadd.s32 s17, v0;
	v9 =	vor.u32 v3, v16;
	v11 =	vld.idx.msk [tilespmem:v5+s19+$0x0], $0xffff  }
0x73: {  	s17 =	sadd.s32 $0x2, s22;
	v18 =	vmul.f32 v17, v17;
	v19 =	vsub.f32 v12, v20;
	v14 =	vld.idx.msk [tilespmem:v5+s18+$0x0], $0xffff;
	v15 =	vadd.f32 v22, v15  }
0x74: {  	s22 =	sadd.s32 $0x4, s22;
	v16 =	vand.u32 $0x7F, v23;
	v17 =	vadd.s32 s17, v0;
	v5 =	vor.u32 v3, v21;
	v12 =	vld.idx.msk [tilespmem:v7+s19+$0x0], $0xffff  }
0x75: {  	_ =	sdelay $0x2  }
0x76: {  	v15 =	vadd.f32 v18, v15;
	v38 =	vmul.f32 v19, v19;
	v4 =	vsub.f32 v4, v10  }
0x77: {  	v7 =	vld.idx.msk [tilespmem:v7+s18+$0x0], $0xffff  }
0x78: {  	s16 =	sadd.s32 $0x3, s16;
	v39 =	vld.idx.msk [tilespmem:v6+s19+$0x0], $0xffff;
	v8 =	vsub.f32 v8, v13;
	v15 =	vadd.f32 v38, v15;
	v4 =	vmul.f32 v4, v4  }
0x79: {  	v40 =	vor.u32 v3, v16;
	v41 =	vand.u32 $0x7F, v17;
	v43 =	vld.idx.msk [tilespmem:v6+s18+$0x0], $0xffff;
	v42 =	vadd.s32 s16, v0  }
0x7a: {  	v44 =	vld.idx.msk [tilespmem:v9+s19+$0x0], $0xffff;
	v11 =	vsub.f32 v11, v14;
	v8 =	vmul.f32 v8, v8;
	v4 =	vadd.f32 v4, v15  }
0x7b: {  	v47 =	vld.idx.msk [tilespmem:v9+s18+$0x0], $0xffff;
	v45 =	vor.u32 v3, v41;
	v46 =	vand.u32 $0x7F, v42  }
0x7c: {  	v48 =	vld.idx.msk [tilespmem:v5+s19+$0x0], $0xffff;
	v11 =	vmul.f32 v11, v11;
	v7 =	vsub.f32 v12, v7;
	v4 =	vadd.f32 v8, v4  }
0x7d: {  	v49 =	vld.idx.msk [tilespmem:v5+s18+$0x0], $0xffff;
	v3 =	vor.u32 v3, v46  }
0x7e: {  	v50 =	vld.idx.msk [tilespmem:v40+s19+$0x0], $0xffff;
	v6 =	vsub.f32 v39, v43;
	v7 =	vmul.f32 v7, v7;
	v4 =	vadd.f32 v11, v4  }
0x7f: {  	v51 =	vld.idx.msk [tilespmem:v40+s18+$0x0], $0xffff  }
0x80: {  	v53 =	vsub.f32 v44, v47;
	v52 =	vld.idx.msk [tilespmem:v45+s19+$0x0], $0xffff;
	v6 =	vmul.f32 v6, v6;
	v4 =	vadd.f32 v7, v4  }
0x81: {  	v54 =	vld.idx.msk [tilespmem:v45+s18+$0x0], $0xffff  }
0x82: {  	v5 =	vsub.f32 v48, v49;
	v56 =	vmul.f32 v53, v53;
	v55 =	vld.idx.msk [tilespmem:v3+s19+$0x0], $0xffff;
	v4 =	vadd.f32 v6, v4  }
0x83: {  	v3 =	vld.idx.msk [tilespmem:v3+s18+$0x0], $0xffff  }
0x84: {  	v5 =	vmul.f32 v5, v5;
	v57 =	vsub.f32 v50, v51;
	v4 =	vadd.f32 v56, v4;
	_ =	sdelay $0x1  }
0x85: {  	v59 =	vsub.f32 v52, v54;
	v58 =	vmul.f32 v57, v57;
	v4 =	vadd.f32 v5, v4;
	_ =	sdelay $0x1  }
0x86: {  	v60 =	vmul.f32 v59, v59;
	v3 =	vsub.f32 v55, v3;
	v4 =	vadd.f32 v58, v4;
	_ =	sdelay $0x1  }
0x87: {  	v3 =	vmul.f32 v3, v3;
	v4 =	vadd.f32 v60, v4;
	_ =	sdelay $0x1  }
0x88: {  	v3 =	vadd.f32 v3, v4;
	_ =	sdelay $0x1  }
0x89: {  	v3 =	vmax.f32 v3, $1.000000000e-30  }
0x8a: {  	v61 =	vshrl.u32 v3, $0x1;
	v62 =	vmul.f32 $5.000000000e-01, v3  }
0x8b: {  	v4 =	vsub.s32 $0x5F3759DF, v61  }
0x8c: {  	v63 =	vmul.f32 v4, v62;
	_ =	sdelay $0x1  }
0x8d: {  	v6 =	vmul.f32 v4, v63;
	_ =	sdelay $0x1  }
0x8e: {  	v6 =	vsub.f32 $1.500000000e+00, v6;
	_ =	sdelay $0x1  }
0x8f: {  	v4 =	vmul.f32 v4, v6;
	_ =	sdelay $0x1  }
0x90: {  	v6 =	vmul.f32 v4, v62;
	_ =	sdelay $0x1  }
0x91: {  	v6 =	vmul.f32 v6, v4;
	_ =	sdelay $0x1  }
0x92: {  	v6 =	vsub.f32 $1.500000000e+00, v6;
	_ =	sdelay $0x1  }
0x93: {  	v4 =	vmul.f32 v6, v4;
	_ =	sdelay $0x1  }
0x94: {  	v5 =	vmul.f32 v4, v62;
	_ =	sdelay $0x1  }
0x95: {  	v5 =	vmul.f32 v5, v4;
	_ =	sdelay $0x1  }
0x96: {  	v5 =	vsub.f32 $1.500000000e+00, v5;
	_ =	sdelay $0x1  }
0x97: {  	s20 =	sadd.s32 $0x1, s20;
	v4 =	vmul.f32 v5, v4  }
0x98: {  	p0 =	sne.s32 s20, $0x4  }
.Ltmp1:
0x99: {  	v3 =	vmul.f32 v4, v3;
	(pc) =	sbr.rel @p0 .LBB2_3-.Ltmp1, $3  }
0x9a: {  	_ = 	snop  }
0x9b: {  	v3 =	vsub.f32 $0.0e+00, v3;
	_ =	sdelay $0x1  }
0x9c: {  	[tilespmem:v2+s21+$0x0 ss:$0x1] =	vst.idx.msk $0xffff, v3  }
0x9d: {  	p0 =	sgt.u32 s10, $0x5  }
0x9e: {  	s10 =	sshll.u32 @!p0 s10, $0xA  }
0x9f: {  	s14 =	simm.s32 @!p0 $0x0;
	s10 =	sadd.s32 @!p0 s10, s15  }
0xa0: {  	[tilespmem:s18], [sflag:s11] =	stream.linear.gather @!p0 [hbm4b:s10+s14], $0x2000, $0x38;
	[tilespmem:$0x14400] =	vst v63  }
0xa1: {  	p0 =	sne.s32 s12, $0x8  }
.Ltmp2:
0xa2: {  	_ = 	snop;
	(pc) =	sbr.rel @p0 .LBB2_2-.Ltmp2, $2  }
0xa3: {  	_ =	sdelay $0x2  }
0xa4: {  	s10 =	smov.u32 s12  }
0xa5: {  	s10 =	rddreg [dreg:$0xf];
	s11 =	simm.s32 $0x14200  }
0xa6: {  	[hbm4b:s10+s3] =	stream.linear.scatter [tilespmem:s11], [sflag:$0xC], $0x200, $0x38;
	[tilespmem:$0x14400] =	vst v63  }
0xa7: {  	_ =	swait.ge [sflag:s8], $0x200  }
0xa8: {  	s9 =	sadd.s32 $0x1, s9;
	s22 =	rddreg [dreg:$0x10]  }
0xa9: {  	p0 =	sne.s32 s9, s22  }
.Ltmp3:
0xaa: {  	_ = 	snop;
	(pc) =	sbr.rel @p0 .LBB2_1-.Ltmp3, $3  }
0xab: {  	_ =	sdelay $0x1  }
0xac: {  	[sflag:s8] =	ssyncset.done $0x0  }
0xad: {  	[sflag:s8] =	ssyncadd.s32 $0xFFFFFE00  }
0xae: {  	_ =	sfence.sel $0x180000  }
0xaf: {  	[bflag:$0x0] =	sbarrier.arrive $0xFFFF  }
0xb0: {  	_ =	strace $0x90000047  }
0xb1: {  	s0 =	stileid.u32;
	[bflag:$0x2] =	sbarrier.arrive $0xFFFF  }
0xb2: {  	p0 =	sne.s32 s0, $0x0;
	s0 =	rddreg [dreg:$0x5]  }
0xb3: {  	s0 =	sadd.s32 @!p0 $0x100000, s0  }
0xb4: {  	[sflag:s0] =	ssyncadd.tile.s32 @!p0 $0x1;
	_ =	shalt  }
.Lfunc_end2:
_tile_overlayer_lowered:
.L_overlay_start_2:
0xb5: {  	(tag) =	ssettag $0x2  }
0xb6: {  	s0 =	rddreg [dreg:$0x0];
	s2 =	stileid.u32  }
0xb7: {  	s1 =	rddreg [dreg:$0x1];
	p0 =	sne.s32 s2, $0x0  }
0xb8: {  	s3 =	rddreg [dreg:$0x2];
	[bflag:$0x3] =	sbarrier.arrive $0xFFFF;
	s2 =	simm.s32 @!p0 $0x1C0D  }
0xb9: {  	[timem:s3], [sflag:s2] =	dma.local @!p0 [hbm:s0], s1  }
0xba: {  	s0 =	simm.s32 @!p0 $0xD  }
0xbb: {  	_ =	swait.ge @!p0 [sflag:s0], s1  }
0xbc: {  	s1 =	ssub.s32 @!p0 $0x0, s1;
	[sflag:s0] =	ssyncset.done @!p0 $0x0  }
0xbd: {  	[sflag:s0] =	ssyncadd.s32 @!p0 s1  }
0xbe: {  	[bflag:$0x3] =	sbarrier.arrive $0xFFFF  }
0xbf: {  	_ =	shalt  }

</sc_bundles>
